<compile_context>
chip_gen: v7x
topology: tpu7x:2x2x1
jax: 0.10.2.dev20260603
libtpu: 0.0.44.dev20260713+nightly
codegen_flags: <defaults>
</compile_context>

<pallas_src>
import functools
import math

import jax
import jax.numpy as jnp
from jax import lax
from jax.experimental import pallas as pl
from jax.experimental.pallas import tpu as pltpu
from jax.experimental.pallas import tpu_sc as plsc

D_MODEL = 768
SCALE = math.sqrt(float(D_MODEL))
B = 4 * 8192

_INFO = plsc.get_sparse_core_info()
NC = _INFO.num_cores
NS = _INFO.num_subcores
L = _INFO.num_lanes
NW = NC * NS
BPW = B // NW
CH = 32
NCHUNK = BPW // CH
COLS = D_MODEL // L
H = CH // 2
NB = 4
AHEAD = 2


def _emb_body(x_hbm, tab_hbm, out_hbm, idx_v, bigbuf, gsem, ssem):
    wid = lax.axis_index("s") * NC + lax.axis_index("c")
    base = wid * BPW

    pltpu.sync_copy(x_hbm.at[wid], idx_v)

    def issue_gather(j, b):
        pltpu.async_copy(
            tab_hbm.at[idx_v.at[j]],
            bigbuf.at[pl.ds(b * CH, CH)],
            gsem.at[b],
        )

    def wait_gather(j, b):
        pltpu.make_async_copy(
            tab_hbm.at[idx_v.at[j]],
            bigbuf.at[pl.ds(b * CH, CH)],
            gsem.at[b],
        ).wait()

    def wait_store(b):
        pltpu.make_async_copy(
            bigbuf.at[pl.ds(b * CH, CH)],
            out_hbm.at[pl.ds(base, CH)],
            ssem.at[b],
        ).wait()

    issue_gather(0, 0)
    issue_gather(1, 1)

    def chunk_body(j, carry):
        b = j % NB
        bg = (j + AHEAD) % NB

        @pl.when(j >= NB - AHEAD)
        def _():
            wait_store(bg)

        @pl.when(j + AHEAD < NCHUNK)
        def _():
            issue_gather(j + AHEAD, bg)

        wait_gather(j, b)
        rbase = b * CH

        @plsc.parallel_loop(0, CH, step=1, unroll=2)
        def _scale(r):
            for c in range(COLS):
                sl = pl.ds(c * L, L)
                bigbuf[rbase + r, sl] = bigbuf[rbase + r, sl] * SCALE

        pltpu.async_copy(
            bigbuf.at[pl.ds(rbase, CH)],
            out_hbm.at[pl.ds(base + j * CH, CH)],
            ssem.at[b],
        )
        return carry

    lax.fori_loop(0, NCHUNK, chunk_body, 0)

    for k in range(AHEAD):
        wait_store((NCHUNK - AHEAD + k) % NB)


def kernel(x, emb_weight):
    xf = x.reshape(NW, NCHUNK, CH).astype(jnp.int32)
    mesh = plsc.VectorSubcoreMesh(core_axis_name="c", subcore_axis_name="s")
    out = pl.kernel(
        _emb_body,
        out_type=jax.ShapeDtypeStruct((B, D_MODEL), jnp.float32),
        mesh=mesh,
        scratch_types=[
            pltpu.VMEM((NCHUNK, CH), jnp.int32),
            pltpu.VMEM((NB * CH, D_MODEL), jnp.float32),
            pltpu.SemaphoreType.DMA((NB,)),
            pltpu.SemaphoreType.DMA((NB,)),
        ],
    )(xf, emb_weight)
    return out.reshape(x.shape[0], x.shape[1], D_MODEL)

# --- scband reference (transcript-rebuilt; emitter-appended) ---
"""Pipeline reference for scband-embeddings-67130338836900 (READ-ONLY COPY).

The authoritative reference and input builder live on the scoring server;
editing this copy changes nothing except your own understanding.
"""

import jax, jax.numpy as jnp
import numpy as np
import math

D_MODEL = 768
VOCAB = 100000

def setup_inputs(seed: int = 0) -> dict:
    key = jax.random.key(seed)
    k1, k2 = jax.random.split(key)
    x = jax.random.randint(k1, (4, 8192), 0, VOCAB, dtype=jnp.int64 if jax.config.jax_enable_x64 else jnp.int32)
    emb_weight = jax.random.normal(k2, (VOCAB, D_MODEL), dtype=jnp.float32)
    return {"x": x, "emb_weight": emb_weight}

def reference(x, emb_weight):
    # nn.Embedding lookup followed by sqrt(d_model) scaling
    out = jnp.take(emb_weight, x, axis=0) * math.sqrt(D_MODEL)
    return out

if __name__ == "__main__":
    import jax
    _d = setup_inputs()
    print(jax.jit(kernel)(*tuple(_d.values())))

</pallas_src>

<mosaic_0001>
#map = affine_map<(d0, d1) -> (0, 0, 0)>
#map1 = affine_map<(d0, d1) -> (0, 0)>
module attributes {stable_mosaic.version = 14 : i64} {
  func.func @_emb_body(%arg0: i32, %arg1: i32, %arg2: memref<32x32x32xi32, #tpu.memory_space<hbm>>, %arg3: memref<100000x768xf32, #tpu.memory_space<hbm>>, %arg4: memref<32768x768xf32, #tpu.memory_space<hbm>>, %arg5: memref<32x32xi32, #tpu.memory_space<vmem>>, %arg6: memref<128x768xf32, #tpu.memory_space<vmem>>, %arg7: memref<4x!tpu.dma_semaphore, #tpu.memory_space<semaphore_mem>>, %arg8: memref<4x!tpu.dma_semaphore, #tpu.memory_space<semaphore_mem>>) attributes {dimension_semantics = [#tpu.dimension_semantics<core_parallel>, #tpu.dimension_semantics<subcore_parallel>], iteration_bounds = array<i64: 2, 16>, scalar_prefetch = 0 : i64, scratch_operands = 4 : i64, tpu.core_type = #tpu.core_type<sc_vector_subcore>, window_params = [{transform_indices = #map}, {transform_indices = #map1}, {transform_indices = #map1}]} {
    %mul3A = arith.constant 2 : i32
    %mul3A_0 = arith.muli %arg1, %mul3A : i32
    %add3A = arith.addi %mul3A_0, %arg0 : i32
    %mul3A_1 = arith.constant 1024 : i32
    %mul3A_2 = arith.muli %add3A, %mul3A_1 : i32
    "tpu.region"() ({
      %run_scoped3A = tpu.sem_alloc : memref<!tpu.dma_semaphore, #tpu.memory_space<semaphore_mem>>
      %dma_start3A_58 = arith.constant 0 : i32
      %dma_start3A_59 = arith.constant 0 : i32
      %dma_start3A_60 = tpu.memref_slice %arg2[%add3A, %dma_start3A_58, %dma_start3A_59] : memref<32x32x32xi32, #tpu.memory_space<hbm>> -> memref<1x32x32xi32, #tpu.memory_space<hbm>>
      %dma_start3A_61 = tpu.memref_squeeze %dma_start3A_60 : memref<1x32x32xi32, #tpu.memory_space<hbm>> -> memref<32x32xi32, #tpu.memory_space<hbm>>
      %dma_start3A_62 = arith.constant 0 : i32
      %dma_start3A_63 = arith.constant 0 : i32
      %dma_start3A_64 = tpu.memref_slice %arg2[%add3A, %dma_start3A_62, %dma_start3A_63] : memref<32x32x32xi32, #tpu.memory_space<hbm>> -> memref<1x32x32xi32, #tpu.memory_space<hbm>>
      %dma_start3A_65 = tpu.memref_squeeze %dma_start3A_64 : memref<1x32x32xi32, #tpu.memory_space<hbm>> -> memref<32x32xi32, #tpu.memory_space<hbm>>
      tpu.enqueue_dma source(%dma_start3A_65 : memref<32x32xi32, #tpu.memory_space<hbm>>) target(%arg5 : memref<32x32xi32, #tpu.memory_space<vmem>>) target_semaphore(%run_scoped3A : memref<!tpu.dma_semaphore, #tpu.memory_space<semaphore_mem>>)
      %dma_wait3A_66 = arith.constant 0 : i32
      %dma_wait3A_67 = arith.constant 0 : i32
      %dma_wait3A_68 = tpu.memref_slice %arg2[%add3A, %dma_wait3A_66, %dma_wait3A_67] : memref<32x32x32xi32, #tpu.memory_space<hbm>> -> memref<1x32x32xi32, #tpu.memory_space<hbm>>
      %dma_wait3A_69 = tpu.memref_squeeze %dma_wait3A_68 : memref<1x32x32xi32, #tpu.memory_space<hbm>> -> memref<32x32xi32, #tpu.memory_space<hbm>>
      %dma_wait3A_70 = arith.constant 0 : i32
      %dma_wait3A_71 = arith.constant 0 : i32
      %dma_wait3A_72 = tpu.memref_slice %arg2[%add3A, %dma_wait3A_70, %dma_wait3A_71] : memref<32x32x32xi32, #tpu.memory_space<hbm>> -> memref<1x32x32xi32, #tpu.memory_space<hbm>>
      %dma_wait3A_73 = tpu.memref_squeeze %dma_wait3A_72 : memref<1x32x32xi32, #tpu.memory_space<hbm>> -> memref<32x32xi32, #tpu.memory_space<hbm>>
      tpu.wait_dma2 semaphore(%run_scoped3A : memref<!tpu.dma_semaphore, #tpu.memory_space<semaphore_mem>>) src(%dma_wait3A_73 : memref<32x32xi32, #tpu.memory_space<hbm>>) dst(%arg5 : memref<32x32xi32, #tpu.memory_space<vmem>>)
      tpu.yield
    }) : () -> ()
    %dma_start3A = arith.constant 0 : i32
    %dma_start3A_3 = arith.constant 0 : i32
    %dma_start3A_4 = arith.constant 0 : i32
    %dma_start3A_5 = arith.constant 0 : i32
    %dma_start3A_6 = tpu.memref_slice %arg6[%dma_start3A_4, %dma_start3A_5] : memref<128x768xf32, #tpu.memory_space<vmem>> -> memref<32x768xf32, #tpu.memory_space<vmem>>
    %dma_start3A_7 = arith.constant 0 : i32
    %dma_start3A_8 = tpu.memref_slice %arg5[%dma_start3A, %dma_start3A_7] : memref<32x32xi32, #tpu.memory_space<vmem>> -> memref<1x32xi32, #tpu.memory_space<vmem>>
    %dma_start3A_9 = tpu.memref_squeeze %dma_start3A_8 : memref<1x32xi32, #tpu.memory_space<vmem>> -> memref<32xi32, #tpu.memory_space<vmem>>
    %dma_start3A_10 = arith.constant 0 : i32
    %dma_start3A_11 = arith.constant 0 : i32
    %dma_start3A_12 = tpu.memref_slice %arg3[%dma_start3A_10, %dma_start3A_11] : memref<100000x768xf32, #tpu.memory_space<hbm>> -> memref<100000x768xf32, #tpu.memory_space<hbm>>
    %dma_start3A_13 = tpu.memref_slice %arg7[%dma_start3A_3] : memref<4x!tpu.dma_semaphore, #tpu.memory_space<semaphore_mem>> -> memref<1x!tpu.dma_semaphore, #tpu.memory_space<semaphore_mem>>
    %dma_start3A_14 = tpu.memref_squeeze %dma_start3A_13 : memref<1x!tpu.dma_semaphore, #tpu.memory_space<semaphore_mem>> -> memref<!tpu.dma_semaphore, #tpu.memory_space<semaphore_mem>>
    tpu.enqueue_indirect_dma source(%dma_start3A_12 : memref<100000x768xf32, #tpu.memory_space<hbm>>) target(%dma_start3A_6 : memref<32x768xf32, #tpu.memory_space<vmem>>) offsets(%dma_start3A_9 : memref<32xi32, #tpu.memory_space<vmem>>) semaphore(%dma_start3A_14 : memref<!tpu.dma_semaphore, #tpu.memory_space<semaphore_mem>>)
    %dma_start3A_15 = arith.constant 1 : i32
    %dma_start3A_16 = arith.constant 1 : i32
    %dma_start3A_17 = arith.constant 32 : i32
    %dma_start3A_18 = arith.constant 0 : i32
    %dma_start3A_19 = tpu.memref_slice %arg6[%dma_start3A_17, %dma_start3A_18] : memref<128x768xf32, #tpu.memory_space<vmem>> -> memref<32x768xf32, #tpu.memory_space<vmem>>
    %dma_start3A_20 = arith.constant 0 : i32
    %dma_start3A_21 = tpu.memref_slice %arg5[%dma_start3A_15, %dma_start3A_20] : memref<32x32xi32, #tpu.memory_space<vmem>> -> memref<1x32xi32, #tpu.memory_space<vmem>>
    %dma_start3A_22 = tpu.memref_squeeze %dma_start3A_21 : memref<1x32xi32, #tpu.memory_space<vmem>> -> memref<32xi32, #tpu.memory_space<vmem>>
    %dma_start3A_23 = arith.constant 0 : i32
    %dma_start3A_24 = arith.constant 0 : i32
    %dma_start3A_25 = tpu.memref_slice %arg3[%dma_start3A_23, %dma_start3A_24] : memref<100000x768xf32, #tpu.memory_space<hbm>> -> memref<100000x768xf32, #tpu.memory_space<hbm>>
    %dma_start3A_26 = tpu.memref_slice %arg7[%dma_start3A_16] : memref<4x!tpu.dma_semaphore, #tpu.memory_space<semaphore_mem>> -> memref<1x!tpu.dma_semaphore, #tpu.memory_space<semaphore_mem>>
    %dma_start3A_27 = tpu.memref_squeeze %dma_start3A_26 : memref<1x!tpu.dma_semaphore, #tpu.memory_space<semaphore_mem>> -> memref<!tpu.dma_semaphore, #tpu.memory_space<semaphore_mem>>
    tpu.enqueue_indirect_dma source(%dma_start3A_25 : memref<100000x768xf32, #tpu.memory_space<hbm>>) target(%dma_start3A_19 : memref<32x768xf32, #tpu.memory_space<vmem>>) offsets(%dma_start3A_22 : memref<32xi32, #tpu.memory_space<vmem>>) semaphore(%dma_start3A_27 : memref<!tpu.dma_semaphore, #tpu.memory_space<semaphore_mem>>)
    %scan3A = arith.constant 0 : i32
    %scan3A_28 = arith.constant 0 : i32
    %scan3A_29 = arith.constant 32 : i32
    %scan3A_30 = arith.addi %scan3A_28, %scan3A_29 : i32
    %scan3A_31 = arith.constant 1 : i32
    scf.for %scan3A_58 = %scan3A_28 to %scan3A_30 step %scan3A_31  : i32 {
      %jit3A = arith.constant 4 : i32
      %eq3A = arith.constant 0 : i32
      %eq3A_59 = arith.cmpi eq, %jit3A, %eq3A : i32
      %jit3A_60 = arith.constant 1 : i32
      %select_n3A = arith.select %eq3A_59, %jit3A_60, %jit3A : i32
      %rem3A = arith.remsi %scan3A_58, %select_n3A : i32
      %ne3A = arith.constant 0 : i32
      %ne3A_61 = arith.cmpi ne, %rem3A, %ne3A : i32
      %lt3A = arith.constant 0 : i32
      %lt3A_62 = arith.cmpi slt, %rem3A, %lt3A : i32
      %lt3A_63 = arith.constant 0 : i32
      %lt3A_64 = arith.cmpi slt, %select_n3A, %lt3A_63 : i32
      %ne3A_65 = arith.xori %lt3A_62, %lt3A_64 : i1
      %and3A = arith.andi %ne3A_65, %ne3A_61 : i1
      %add3A_66 = arith.addi %rem3A, %select_n3A : i32
      %select_n3A_67 = arith.select %and3A, %add3A_66, %rem3A : i32
      %add3A_68 = arith.constant 2 : i32
      %add3A_69 = arith.addi %scan3A_58, %add3A_68 : i32
      %jit3A_70 = arith.constant 4 : i32
      %eq3A_71 = arith.constant 0 : i32
      %eq3A_72 = arith.cmpi eq, %jit3A_70, %eq3A_71 : i32
      %jit3A_73 = arith.constant 1 : i32
      %select_n3A_74 = arith.select %eq3A_72, %jit3A_73, %jit3A_70 : i32
      %rem3A_75 = arith.remsi %add3A_69, %select_n3A_74 : i32
      %ne3A_76 = arith.constant 0 : i32
      %ne3A_77 = arith.cmpi ne, %rem3A_75, %ne3A_76 : i32
      %lt3A_78 = arith.constant 0 : i32
      %lt3A_79 = arith.cmpi slt, %rem3A_75, %lt3A_78 : i32
      %lt3A_80 = arith.constant 0 : i32
      %lt3A_81 = arith.cmpi slt, %select_n3A_74, %lt3A_80 : i32
      %ne3A_82 = arith.xori %lt3A_79, %lt3A_81 : i1
      %and3A_83 = arith.andi %ne3A_82, %ne3A_77 : i1
      %add3A_84 = arith.addi %rem3A_75, %select_n3A_74 : i32
      %select_n3A_85 = arith.select %and3A_83, %add3A_84, %rem3A_75 : i32
      %ge3A = arith.constant 2 : i32
      %ge3A_86 = arith.cmpi sge, %scan3A_58, %ge3A : i32
      %convert_element_type3A = arith.extui %ge3A_86 : i1 to i32
      %cond3A = arith.constant 0 : i32
      %cond3A_87 = arith.cmpi ne, %convert_element_type3A, %cond3A : i32
      scf.if %cond3A_87 {
        %mul3A_124 = arith.constant 32 : i32
        %mul3A_125 = arith.muli %select_n3A_85, %mul3A_124 : i32
        %dma_wait3A_126 = arith.constant 0 : i32
        %dma_wait3A_127 = tpu.memref_slice %arg6[%mul3A_125, %dma_wait3A_126] : memref<128x768xf32, #tpu.memory_space<vmem>> -> memref<32x768xf32, #tpu.memory_space<vmem>>
        %dma_wait3A_128 = arith.constant 0 : i32
        %dma_wait3A_129 = tpu.memref_slice %arg4[%mul3A_2, %dma_wait3A_128] : memref<32768x768xf32, #tpu.memory_space<hbm>> -> memref<32x768xf32, #tpu.memory_space<hbm>>
        %dma_wait3A_130 = tpu.memref_slice %arg8[%select_n3A_85] : memref<4x!tpu.dma_semaphore, #tpu.memory_space<semaphore_mem>> -> memref<1x!tpu.dma_semaphore, #tpu.memory_space<semaphore_mem>>
        %dma_wait3A_131 = tpu.memref_squeeze %dma_wait3A_130 : memref<1x!tpu.dma_semaphore, #tpu.memory_space<semaphore_mem>> -> memref<!tpu.dma_semaphore, #tpu.memory_space<semaphore_mem>>
        %dma_wait3A_132 = arith.constant 0 : i32
        %dma_wait3A_133 = tpu.memref_slice %arg4[%mul3A_2, %dma_wait3A_132] : memref<32768x768xf32, #tpu.memory_space<hbm>> -> memref<32x768xf32, #tpu.memory_space<hbm>>
        %dma_wait3A_134 = arith.constant 0 : i32
        %dma_wait3A_135 = tpu.memref_slice %arg6[%mul3A_125, %dma_wait3A_134] : memref<128x768xf32, #tpu.memory_space<vmem>> -> memref<32x768xf32, #tpu.memory_space<vmem>>
        tpu.wait_dma2 semaphore(%dma_wait3A_131 : memref<!tpu.dma_semaphore, #tpu.memory_space<semaphore_mem>>) src(%dma_wait3A_135 : memref<32x768xf32, #tpu.memory_space<vmem>>) dst(%dma_wait3A_133 : memref<32x768xf32, #tpu.memory_space<hbm>>)
      } else {
      }
      %add3A_88 = arith.constant 2 : i32
      %add3A_89 = arith.addi %scan3A_58, %add3A_88 : i32
      %lt3A_90 = arith.constant 32 : i32
      %lt3A_91 = arith.cmpi slt, %add3A_89, %lt3A_90 : i32
      %convert_element_type3A_92 = arith.extui %lt3A_91 : i1 to i32
      %cond3A_93 = arith.constant 0 : i32
      %cond3A_94 = arith.cmpi ne, %convert_element_type3A_92, %cond3A_93 : i32
      scf.if %cond3A_94 {
        %add3A_124 = arith.constant 2 : i32
        %add3A_125 = arith.addi %scan3A_58, %add3A_124 : i32
        %mul3A_126 = arith.constant 32 : i32
        %mul3A_127 = arith.muli %select_n3A_85, %mul3A_126 : i32
        %dma_start3A_128 = arith.constant 0 : i32
        %dma_start3A_129 = tpu.memref_slice %arg6[%mul3A_127, %dma_start3A_128] : memref<128x768xf32, #tpu.memory_space<vmem>> -> memref<32x768xf32, #tpu.memory_space<vmem>>
        %dma_start3A_130 = arith.constant 0 : i32
        %dma_start3A_131 = tpu.memref_slice %arg5[%add3A_125, %dma_start3A_130] : memref<32x32xi32, #tpu.memory_space<vmem>> -> memref<1x32xi32, #tpu.memory_space<vmem>>
        %dma_start3A_132 = tpu.memref_squeeze %dma_start3A_131 : memref<1x32xi32, #tpu.memory_space<vmem>> -> memref<32xi32, #tpu.memory_space<vmem>>
        %dma_start3A_133 = arith.constant 0 : i32
        %dma_start3A_134 = arith.constant 0 : i32
        %dma_start3A_135 = tpu.memref_slice %arg3[%dma_start3A_133, %dma_start3A_134] : memref<100000x768xf32, #tpu.memory_space<hbm>> -> memref<100000x768xf32, #tpu.memory_space<hbm>>
        %dma_start3A_136 = tpu.memref_slice %arg7[%select_n3A_85] : memref<4x!tpu.dma_semaphore, #tpu.memory_space<semaphore_mem>> -> memref<1x!tpu.dma_semaphore, #tpu.memory_space<semaphore_mem>>
        %dma_start3A_137 = tpu.memref_squeeze %dma_start3A_136 : memref<1x!tpu.dma_semaphore, #tpu.memory_space<semaphore_mem>> -> memref<!tpu.dma_semaphore, #tpu.memory_space<semaphore_mem>>
        tpu.enqueue_indirect_dma source(%dma_start3A_135 : memref<100000x768xf32, #tpu.memory_space<hbm>>) target(%dma_start3A_129 : memref<32x768xf32, #tpu.memory_space<vmem>>) offsets(%dma_start3A_132 : memref<32xi32, #tpu.memory_space<vmem>>) semaphore(%dma_start3A_137 : memref<!tpu.dma_semaphore, #tpu.memory_space<semaphore_mem>>)
      } else {
      }
      %mul3A_95 = arith.constant 32 : i32
      %mul3A_96 = arith.muli %select_n3A_67, %mul3A_95 : i32
      %dma_wait3A_97 = arith.constant 0 : i32
      %dma_wait3A_98 = tpu.memref_slice %arg6[%mul3A_96, %dma_wait3A_97] : memref<128x768xf32, #tpu.memory_space<vmem>> -> memref<32x768xf32, #tpu.memory_space<vmem>>
      %dma_wait3A_99 = arith.constant 0 : i32
      %dma_wait3A_100 = tpu.memref_slice %arg5[%scan3A_58, %dma_wait3A_99] : memref<32x32xi32, #tpu.memory_space<vmem>> -> memref<1x32xi32, #tpu.memory_space<vmem>>
      %dma_wait3A_101 = tpu.memref_squeeze %dma_wait3A_100 : memref<1x32xi32, #tpu.memory_space<vmem>> -> memref<32xi32, #tpu.memory_space<vmem>>
      %dma_wait3A_102 = arith.constant 0 : i32
      %dma_wait3A_103 = arith.constant 0 : i32
      %dma_wait3A_104 = tpu.memref_slice %arg3[%dma_wait3A_102, %dma_wait3A_103] : memref<100000x768xf32, #tpu.memory_space<hbm>> -> memref<100000x768xf32, #tpu.memory_space<hbm>>
      %dma_wait3A_105 = tpu.memref_slice %arg7[%select_n3A_67] : memref<4x!tpu.dma_semaphore, #tpu.memory_space<semaphore_mem>> -> memref<1x!tpu.dma_semaphore, #tpu.memory_space<semaphore_mem>>
      %dma_wait3A_106 = tpu.memref_squeeze %dma_wait3A_105 : memref<1x!tpu.dma_semaphore, #tpu.memory_space<semaphore_mem>> -> memref<!tpu.dma_semaphore, #tpu.memory_space<semaphore_mem>>
      tpu.wait_indirect_dma semaphore(%dma_wait3A_106 : memref<!tpu.dma_semaphore, #tpu.memory_space<semaphore_mem>>) src(%dma_wait3A_104 : memref<100000x768xf32, #tpu.memory_space<hbm>>) dst(%dma_wait3A_98 : memref<32x768xf32, #tpu.memory_space<vmem>>)
      %mul3A_107 = arith.constant 32 : i32
      %mul3A_108 = arith.muli %select_n3A_67, %mul3A_107 : i32
      %parallel_loop3A = arith.constant 0 : i32
      %parallel_loop3A_109 = arith.constant 32 : i32
      %parallel_loop3A_110 = arith.constant 1 : i32
      scf.for %parallel_loop3A_124 = %parallel_loop3A to %parallel_loop3A_109 step %parallel_loop3A_110  : i32 {
        %parallel_loop3A_125 = arith.addi %mul3A_108, %parallel_loop3A_124 : i32
        %parallel_loop3A_126 = arith.index_cast %parallel_loop3A_125 : i32 to index
        %parallel_loop3A_127 = arith.constant 0 : index
        %parallel_loop3A_128 = tpu.vector_load %arg6[%parallel_loop3A_126, %parallel_loop3A_127] {strides = array<i32>} : memref<128x768xf32, #tpu.memory_space<vmem>>, vector<1x16xf32>,
        %parallel_loop3A_129 = vector.shape_cast %parallel_loop3A_128 : vector<1x16xf32> to vector<16xf32>
        %parallel_loop3A_130 = arith.constant 27.7128124 : f32
        %parallel_loop3A_131 = vector.broadcast %parallel_loop3A_130 : f32 to vector<16xf32>
        %parallel_loop3A_132 = arith.mulf %parallel_loop3A_129, %parallel_loop3A_131 : vector<16xf32>
        %parallel_loop3A_133 = arith.addi %mul3A_108, %parallel_loop3A_124 : i32
        %parallel_loop3A_134 = arith.index_cast %parallel_loop3A_133 : i32 to index
        %parallel_loop3A_135 = arith.constant 0 : index
        %parallel_loop3A_136 = tpu.vector_load %arg6[%parallel_loop3A_134, %parallel_loop3A_135] {strides = array<i32>} : memref<128x768xf32, #tpu.memory_space<vmem>>, vector<1x16xf32>,
        %parallel_loop3A_137 = vector.shape_cast %parallel_loop3A_136 : vector<1x16xf32> to vector<16xf32>
        %parallel_loop3A_138 = vector.shape_cast %parallel_loop3A_132 : vector<16xf32> to vector<1x16xf32>
        tpu.vector_store %arg6[%parallel_loop3A_134, %parallel_loop3A_135], %parallel_loop3A_138 {strides = array<i32>} : memref<128x768xf32, #tpu.memory_space<vmem>>, vector<1x16xf32>,
        %parallel_loop3A_139 = arith.addi %mul3A_108, %parallel_loop3A_124 : i32
        %parallel_loop3A_140 = arith.index_cast %parallel_loop3A_139 : i32 to index
        %parallel_loop3A_141 = arith.constant 16 : index
        %parallel_loop3A_142 = tpu.vector_load %arg6[%parallel_loop3A_140, %parallel_loop3A_141] {strides = array<i32>} : memref<128x768xf32, #tpu.memory_space<vmem>>, vector<1x16xf32>,
        %parallel_loop3A_143 = vector.shape_cast %parallel_loop3A_142 : vector<1x16xf32> to vector<16xf32>
        %parallel_loop3A_144 = arith.constant 27.7128124 : f32
        %parallel_loop3A_145 = vector.broadcast %parallel_loop3A_144 : f32 to vector<16xf32>
        %parallel_loop3A_146 = arith.mulf %parallel_loop3A_143, %parallel_loop3A_145 : vector<16xf32>
        %parallel_loop3A_147 = arith.addi %mul3A_108, %parallel_loop3A_124 : i32
        %parallel_loop3A_148 = arith.index_cast %parallel_loop3A_147 : i32 to index
        %parallel_loop3A_149 = arith.constant 16 : index
        %parallel_loop3A_150 = tpu.vector_load %arg6[%parallel_loop3A_148, %parallel_loop3A_149] {strides = array<i32>} : memref<128x768xf32, #tpu.memory_space<vmem>>, vector<1x16xf32>,
        %parallel_loop3A_151 = vector.shape_cast %parallel_loop3A_150 : vector<1x16xf32> to vector<16xf32>
        %parallel_loop3A_152 = vector.shape_cast %parallel_loop3A_146 : vector<16xf32> to vector<1x16xf32>
        tpu.vector_store %arg6[%parallel_loop3A_148, %parallel_loop3A_149], %parallel_loop3A_152 {strides = array<i32>} : memref<128x768xf32, #tpu.memory_space<vmem>>, vector<1x16xf32>,
        %parallel_loop3A_153 = arith.addi %mul3A_108, %parallel_loop3A_124 : i32
        %parallel_loop3A_154 = arith.index_cast %parallel_loop3A_153 : i32 to index
        %parallel_loop3A_155 = arith.constant 32 : index
        %parallel_loop3A_156 = tpu.vector_load %arg6[%parallel_loop3A_154, %parallel_loop3A_155] {strides = array<i32>} : memref<128x768xf32, #tpu.memory_space<vmem>>, vector<1x16xf32>,
        %parallel_loop3A_157 = vector.shape_cast %parallel_loop3A_156 : vector<1x16xf32> to vector<16xf32>
        %parallel_loop3A_158 = arith.constant 27.7128124 : f32
        %parallel_loop3A_159 = vector.broadcast %parallel_loop3A_158 : f32 to vector<16xf32>
        %parallel_loop3A_160 = arith.mulf %parallel_loop3A_157, %parallel_loop3A_159 : vector<16xf32>
        %parallel_loop3A_161 = arith.addi %mul3A_108, %parallel_loop3A_124 : i32
        %parallel_loop3A_162 = arith.index_cast %parallel_loop3A_161 : i32 to index
        %parallel_loop3A_163 = arith.constant 32 : index
        %parallel_loop3A_164 = tpu.vector_load %arg6[%parallel_loop3A_162, %parallel_loop3A_163] {strides = array<i32>} : memref<128x768xf32, #tpu.memory_space<vmem>>, vector<1x16xf32>,
        %parallel_loop3A_165 = vector.shape_cast %parallel_loop3A_164 : vector<1x16xf32> to vector<16xf32>
        %parallel_loop3A_166 = vector.shape_cast %parallel_loop3A_160 : vector<16xf32> to vector<1x16xf32>
        tpu.vector_store %arg6[%parallel_loop3A_162, %parallel_loop3A_163], %parallel_loop3A_166 {strides = array<i32>} : memref<128x768xf32, #tpu.memory_space<vmem>>, vector<1x16xf32>,
        %parallel_loop3A_167 = arith.addi %mul3A_108, %parallel_loop3A_124 : i32
        %parallel_loop3A_168 = arith.index_cast %parallel_loop3A_167 : i32 to index
        %parallel_loop3A_169 = arith.constant 48 : index
        %parallel_loop3A_170 = tpu.vector_load %arg6[%parallel_loop3A_168, %parallel_loop3A_169] {strides = array<i32>} : memref<128x768xf32, #tpu.memory_space<vmem>>, vector<1x16xf32>,
        %parallel_loop3A_171 = vector.shape_cast %parallel_loop3A_170 : vector<1x16xf32> to vector<16xf32>
        %parallel_loop3A_172 = arith.constant 27.7128124 : f32
        %parallel_loop3A_173 = vector.broadcast %parallel_loop3A_172 : f32 to vector<16xf32>
        %parallel_loop3A_174 = arith.mulf %parallel_loop3A_171, %parallel_loop3A_173 : vector<16xf32>
        %parallel_loop3A_175 = arith.addi %mul3A_108, %parallel_loop3A_124 : i32
        %parallel_loop3A_176 = arith.index_cast %parallel_loop3A_175 : i32 to index
        %parallel_loop3A_177 = arith.constant 48 : index
        %parallel_loop3A_178 = tpu.vector_load %arg6[%parallel_loop3A_176, %parallel_loop3A_177] {strides = array<i32>} : memref<128x768xf32, #tpu.memory_space<vmem>>, vector<1x16xf32>,
        %parallel_loop3A_179 = vector.shape_cast %parallel_loop3A_178 : vector<1x16xf32> to vector<16xf32>
        %parallel_loop3A_180 = vector.shape_cast %parallel_loop3A_174 : vector<16xf32> to vector<1x16xf32>
        tpu.vector_store %arg6[%parallel_loop3A_176, %parallel_loop3A_177], %parallel_loop3A_180 {strides = array<i32>} : memref<128x768xf32, #tpu.memory_space<vmem>>, vector<1x16xf32>,
        %parallel_loop3A_181 = arith.addi %mul3A_108, %parallel_loop3A_124 : i32
        %parallel_loop3A_182 = arith.index_cast %parallel_loop3A_181 : i32 to index
        %parallel_loop3A_183 = arith.constant 64 : index
        %parallel_loop3A_184 = tpu.vector_load %arg6[%parallel_loop3A_182, %parallel_loop3A_183] {strides = array<i32>} : memref<128x768xf32, #tpu.memory_space<vmem>>, vector<1x16xf32>,
        %parallel_loop3A_185 = vector.shape_cast %parallel_loop3A_184 : vector<1x16xf32> to vector<16xf32>
        %parallel_loop3A_186 = arith.constant 27.7128124 : f32
        %parallel_loop3A_187 = vector.broadcast %parallel_loop3A_186 : f32 to vector<16xf32>
        %parallel_loop3A_188 = arith.mulf %parallel_loop3A_185, %parallel_loop3A_187 : vector<16xf32>
        %parallel_loop3A_189 = arith.addi %mul3A_108, %parallel_loop3A_124 : i32
        %parallel_loop3A_190 = arith.index_cast %parallel_loop3A_189 : i32 to index
        %parallel_loop3A_191 = arith.constant 64 : index
        %parallel_loop3A_192 = tpu.vector_load %arg6[%parallel_loop3A_190, %parallel_loop3A_191] {strides = array<i32>} : memref<128x768xf32, #tpu.memory_space<vmem>>, vector<1x16xf32>,
        %parallel_loop3A_193 = vector.shape_cast %parallel_loop3A_192 : vector<1x16xf32> to vector<16xf32>
        %parallel_loop3A_194 = vector.shape_cast %parallel_loop3A_188 : vector<16xf32> to vector<1x16xf32>
        tpu.vector_store %arg6[%parallel_loop3A_190, %parallel_loop3A_191], %parallel_loop3A_194 {strides = array<i32>} : memref<128x768xf32, #tpu.memory_space<vmem>>, vector<1x16xf32>,
        %parallel_loop3A_195 = arith.addi %mul3A_108, %parallel_loop3A_124 : i32
        %parallel_loop3A_196 = arith.index_cast %parallel_loop3A_195 : i32 to index
        %parallel_loop3A_197 = arith.constant 80 : index
        %parallel_loop3A_198 = tpu.vector_load %arg6[%parallel_loop3A_196, %parallel_loop3A_197] {strides = array<i32>} : memref<128x768xf32, #tpu.memory_space<vmem>>, vector<1x16xf32>,
        %parallel_loop3A_199 = vector.shape_cast %parallel_loop3A_198 : vector<1x16xf32> to vector<16xf32>
        %parallel_loop3A_200 = arith.constant 27.7128124 : f32
        %parallel_loop3A_201 = vector.broadcast %parallel_loop3A_200 : f32 to vector<16xf32>
        %parallel_loop3A_202 = arith.mulf %parallel_loop3A_199, %parallel_loop3A_201 : vector<16xf32>
        %parallel_loop3A_203 = arith.addi %mul3A_108, %parallel_loop3A_124 : i32
        %parallel_loop3A_204 = arith.index_cast %parallel_loop3A_203 : i32 to index
        %parallel_loop3A_205 = arith.constant 80 : index
        %parallel_loop3A_206 = tpu.vector_load %arg6[%parallel_loop3A_204, %parallel_loop3A_205] {strides = array<i32>} : memref<128x768xf32, #tpu.memory_space<vmem>>, vector<1x16xf32>,
        %parallel_loop3A_207 = vector.shape_cast %parallel_loop3A_206 : vector<1x16xf32> to vector<16xf32>
        %parallel_loop3A_208 = vector.shape_cast %parallel_loop3A_202 : vector<16xf32> to vector<1x16xf32>
        tpu.vector_store %arg6[%parallel_loop3A_204, %parallel_loop3A_205], %parallel_loop3A_208 {strides = array<i32>} : memref<128x768xf32, #tpu.memory_space<vmem>>, vector<1x16xf32>,
        %parallel_loop3A_209 = arith.addi %mul3A_108, %parallel_loop3A_124 : i32
        %parallel_loop3A_210 = arith.index_cast %parallel_loop3A_209 : i32 to index
        %parallel_loop3A_211 = arith.constant 96 : index
        %parallel_loop3A_212 = tpu.vector_load %arg6[%parallel_loop3A_210, %parallel_loop3A_211] {strides = array<i32>} : memref<128x768xf32, #tpu.memory_space<vmem>>, vector<1x16xf32>,
        %parallel_loop3A_213 = vector.shape_cast %parallel_loop3A_212 : vector<1x16xf32> to vector<16xf32>
        %parallel_loop3A_214 = arith.constant 27.7128124 : f32
        %parallel_loop3A_215 = vector.broadcast %parallel_loop3A_214 : f32 to vector<16xf32>
        %parallel_loop3A_216 = arith.mulf %parallel_loop3A_213, %parallel_loop3A_215 : vector<16xf32>
        %parallel_loop3A_217 = arith.addi %mul3A_108, %parallel_loop3A_124 : i32
        %parallel_loop3A_218 = arith.index_cast %parallel_loop3A_217 : i32 to index
        %parallel_loop3A_219 = arith.constant 96 : index
        %parallel_loop3A_220 = tpu.vector_load %arg6[%parallel_loop3A_218, %parallel_loop3A_219] {strides = array<i32>} : memref<128x768xf32, #tpu.memory_space<vmem>>, vector<1x16xf32>,
        %parallel_loop3A_221 = vector.shape_cast %parallel_loop3A_220 : vector<1x16xf32> to vector<16xf32>
        %parallel_loop3A_222 = vector.shape_cast %parallel_loop3A_216 : vector<16xf32> to vector<1x16xf32>
        tpu.vector_store %arg6[%parallel_loop3A_218, %parallel_loop3A_219], %parallel_loop3A_222 {strides = array<i32>} : memref<128x768xf32, #tpu.memory_space<vmem>>, vector<1x16xf32>,
        %parallel_loop3A_223 = arith.addi %mul3A_108, %parallel_loop3A_124 : i32
        %parallel_loop3A_224 = arith.index_cast %parallel_loop3A_223 : i32 to index
        %parallel_loop3A_225 = arith.constant 112 : index
        %parallel_loop3A_226 = tpu.vector_load %arg6[%parallel_loop3A_224, %parallel_loop3A_225] {strides = array<i32>} : memref<128x768xf32, #tpu.memory_space<vmem>>, vector<1x16xf32>,
        %parallel_loop3A_227 = vector.shape_cast %parallel_loop3A_226 : vector<1x16xf32> to vector<16xf32>
        %parallel_loop3A_228 = arith.constant 27.7128124 : f32
        %parallel_loop3A_229 = vector.broadcast %parallel_loop3A_228 : f32 to vector<16xf32>
        %parallel_loop3A_230 = arith.mulf %parallel_loop3A_227, %parallel_loop3A_229 : vector<16xf32>
        %parallel_loop3A_231 = arith.addi %mul3A_108, %parallel_loop3A_124 : i32
        %parallel_loop3A_232 = arith.index_cast %parallel_loop3A_231 : i32 to index
        %parallel_loop3A_233 = arith.constant 112 : index
        %parallel_loop3A_234 = tpu.vector_load %arg6[%parallel_loop3A_232, %parallel_loop3A_233] {strides = array<i32>} : memref<128x768xf32, #tpu.memory_space<vmem>>, vector<1x16xf32>,
        %parallel_loop3A_235 = vector.shape_cast %parallel_loop3A_234 : vector<1x16xf32> to vector<16xf32>
        %parallel_loop3A_236 = vector.shape_cast %parallel_loop3A_230 : vector<16xf32> to vector<1x16xf32>
        tpu.vector_store %arg6[%parallel_loop3A_232, %parallel_loop3A_233], %parallel_loop3A_236 {strides = array<i32>} : memref<128x768xf32, #tpu.memory_space<vmem>>, vector<1x16xf32>,
        %parallel_loop3A_237 = arith.addi %mul3A_108, %parallel_loop3A_124 : i32
        %parallel_loop3A_238 = arith.index_cast %parallel_loop3A_237 : i32 to index
        %parallel_loop3A_239 = arith.constant 128 : index
        %parallel_loop3A_240 = tpu.vector_load %arg6[%parallel_loop3A_238, %parallel_loop3A_239] {strides = array<i32>} : memref<128x768xf32, #tpu.memory_space<vmem>>, vector<1x16xf32>,
        %parallel_loop3A_241 = vector.shape_cast %parallel_loop3A_240 : vector<1x16xf32> to vector<16xf32>
        %parallel_loop3A_242 = arith.constant 27.7128124 : f32
        %parallel_loop3A_243 = vector.broadcast %parallel_loop3A_242 : f32 to vector<16xf32>
        %parallel_loop3A_244 = arith.mulf %parallel_loop3A_241, %parallel_loop3A_243 : vector<16xf32>
        %parallel_loop3A_245 = arith.addi %mul3A_108, %parallel_loop3A_124 : i32
        %parallel_loop3A_246 = arith.index_cast %parallel_loop3A_245 : i32 to index
        %parallel_loop3A_247 = arith.constant 128 : index
        %parallel_loop3A_248 = tpu.vector_load %arg6[%parallel_loop3A_246, %parallel_loop3A_247] {strides = array<i32>} : memref<128x768xf32, #tpu.memory_space<vmem>>, vector<1x16xf32>,
        %parallel_loop3A_249 = vector.shape_cast %parallel_loop3A_248 : vector<1x16xf32> to vector<16xf32>
        %parallel_loop3A_250 = vector.shape_cast %parallel_loop3A_244 : vector<16xf32> to vector<1x16xf32>
        tpu.vector_store %arg6[%parallel_loop3A_246, %parallel_loop3A_247], %parallel_loop3A_250 {strides = array<i32>} : memref<128x768xf32, #tpu.memory_space<vmem>>, vector<1x16xf32>,
        %parallel_loop3A_251 = arith.addi %mul3A_108, %parallel_loop3A_124 : i32
        %parallel_loop3A_252 = arith.index_cast %parallel_loop3A_251 : i32 to index
        %parallel_loop3A_253 = arith.constant 144 : index
        %parallel_loop3A_254 = tpu.vector_load %arg6[%parallel_loop3A_252, %parallel_loop3A_253] {strides = array<i32>} : memref<128x768xf32, #tpu.memory_space<vmem>>, vector<1x16xf32>,
        %parallel_loop3A_255 = vector.shape_cast %parallel_loop3A_254 : vector<1x16xf32> to vector<16xf32>
        %parallel_loop3A_256 = arith.constant 27.7128124 : f32
        %parallel_loop3A_257 = vector.broadcast %parallel_loop3A_256 : f32 to vector<16xf32>
        %parallel_loop3A_258 = arith.mulf %parallel_loop3A_255, %parallel_loop3A_257 : vector<16xf32>
        %parallel_loop3A_259 = arith.addi %mul3A_108, %parallel_loop3A_124 : i32
        %parallel_loop3A_260 = arith.index_cast %parallel_loop3A_259 : i32 to index
        %parallel_loop3A_261 = arith.constant 144 : index
        %parallel_loop3A_262 = tpu.vector_load %arg6[%parallel_loop3A_260, %parallel_loop3A_261] {strides = array<i32>} : memref<128x768xf32, #tpu.memory_space<vmem>>, vector<1x16xf32>,
        %parallel_loop3A_263 = vector.shape_cast %parallel_loop3A_262 : vector<1x16xf32> to vector<16xf32>
        %parallel_loop3A_264 = vector.shape_cast %parallel_loop3A_258 : vector<16xf32> to vector<1x16xf32>
        tpu.vector_store %arg6[%parallel_loop3A_260, %parallel_loop3A_261], %parallel_loop3A_264 {strides = array<i32>} : memref<128x768xf32, #tpu.memory_space<vmem>>, vector<1x16xf32>,
        %parallel_loop3A_265 = arith.addi %mul3A_108, %parallel_loop3A_124 : i32
        %parallel_loop3A_266 = arith.index_cast %parallel_loop3A_265 : i32 to index
        %parallel_loop3A_267 = arith.constant 160 : index
        %parallel_loop3A_268 = tpu.vector_load %arg6[%parallel_loop3A_266, %parallel_loop3A_267] {strides = array<i32>} : memref<128x768xf32, #tpu.memory_space<vmem>>, vector<1x16xf32>,
        %parallel_loop3A_269 = vector.shape_cast %parallel_loop3A_268 : vector<1x16xf32> to vector<16xf32>
        %parallel_loop3A_270 = arith.constant 27.7128124 : f32
        %parallel_loop3A_271 = vector.broadcast %parallel_loop3A_270 : f32 to vector<16xf32>
        %parallel_loop3A_272 = arith.mulf %parallel_loop3A_269, %parallel_loop3A_271 : vector<16xf32>
        %parallel_loop3A_273 = arith.addi %mul3A_108, %parallel_loop3A_124 : i32
        %parallel_loop3A_274 = arith.index_cast %parallel_loop3A_273 : i32 to index
        %parallel_loop3A_275 = arith.constant 160 : index
        %parallel_loop3A_276 = tpu.vector_load %arg6[%parallel_loop3A_274, %parallel_loop3A_275] {strides = array<i32>} : memref<128x768xf32, #tpu.memory_space<vmem>>, vector<1x16xf32>,
        %parallel_loop3A_277 = vector.shape_cast %parallel_loop3A_276 : vector<1x16xf32> to vector<16xf32>
        %parallel_loop3A_278 = vector.shape_cast %parallel_loop3A_272 : vector<16xf32> to vector<1x16xf32>
        tpu.vector_store %arg6[%parallel_loop3A_274, %parallel_loop3A_275], %parallel_loop3A_278 {strides = array<i32>} : memref<128x768xf32, #tpu.memory_space<vmem>>, vector<1x16xf32>,
        %parallel_loop3A_279 = arith.addi %mul3A_108, %parallel_loop3A_124 : i32
        %parallel_loop3A_280 = arith.index_cast %parallel_loop3A_279 : i32 to index
        %parallel_loop3A_281 = arith.constant 176 : index
        %parallel_loop3A_282 = tpu.vector_load %arg6[%parallel_loop3A_280, %parallel_loop3A_281] {strides = array<i32>} : memref<128x768xf32, #tpu.memory_space<vmem>>, vector<1x16xf32>,
        %parallel_loop3A_283 = vector.shape_cast %parallel_loop3A_282 : vector<1x16xf32> to vector<16xf32>
        %parallel_loop3A_284 = arith.constant 27.7128124 : f32
        %parallel_loop3A_285 = vector.broadcast %parallel_loop3A_284 : f32 to vector<16xf32>
        %parallel_loop3A_286 = arith.mulf %parallel_loop3A_283, %parallel_loop3A_285 : vector<16xf32>
        %parallel_loop3A_287 = arith.addi %mul3A_108, %parallel_loop3A_124 : i32
        %parallel_loop3A_288 = arith.index_cast %parallel_loop3A_287 : i32 to index
        %parallel_loop3A_289 = arith.constant 176 : index
        %parallel_loop3A_290 = tpu.vector_load %arg6[%parallel_loop3A_288, %parallel_loop3A_289] {strides = array<i32>} : memref<128x768xf32, #tpu.memory_space<vmem>>, vector<1x16xf32>,
        %parallel_loop3A_291 = vector.shape_cast %parallel_loop3A_290 : vector<1x16xf32> to vector<16xf32>
        %parallel_loop3A_292 = vector.shape_cast %parallel_loop3A_286 : vector<16xf32> to vector<1x16xf32>
        tpu.vector_store %arg6[%parallel_loop3A_288, %parallel_loop3A_289], %parallel_loop3A_292 {strides = array<i32>} : memref<128x768xf32, #tpu.memory_space<vmem>>, vector<1x16xf32>,
        %parallel_loop3A_293 = arith.addi %mul3A_108, %parallel_loop3A_124 : i32
        %parallel_loop3A_294 = arith.index_cast %parallel_loop3A_293 : i32 to index
        %parallel_loop3A_295 = arith.constant 192 : index
        %parallel_loop3A_296 = tpu.vector_load %arg6[%parallel_loop3A_294, %parallel_loop3A_295] {strides = array<i32>} : memref<128x768xf32, #tpu.memory_space<vmem>>, vector<1x16xf32>,
        %parallel_loop3A_297 = vector.shape_cast %parallel_loop3A_296 : vector<1x16xf32> to vector<16xf32>
        %parallel_loop3A_298 = arith.constant 27.7128124 : f32
        %parallel_loop3A_299 = vector.broadcast %parallel_loop3A_298 : f32 to vector<16xf32>
        %parallel_loop3A_300 = arith.mulf %parallel_loop3A_297, %parallel_loop3A_299 : vector<16xf32>
        %parallel_loop3A_301 = arith.addi %mul3A_108, %parallel_loop3A_124 : i32
        %parallel_loop3A_302 = arith.index_cast %parallel_loop3A_301 : i32 to index
        %parallel_loop3A_303 = arith.constant 192 : index
        %parallel_loop3A_304 = tpu.vector_load %arg6[%parallel_loop3A_302, %parallel_loop3A_303] {strides = array<i32>} : memref<128x768xf32, #tpu.memory_space<vmem>>, vector<1x16xf32>,
        %parallel_loop3A_305 = vector.shape_cast %parallel_loop3A_304 : vector<1x16xf32> to vector<16xf32>
        %parallel_loop3A_306 = vector.shape_cast %parallel_loop3A_300 : vector<16xf32> to vector<1x16xf32>
        tpu.vector_store %arg6[%parallel_loop3A_302, %parallel_loop3A_303], %parallel_loop3A_306 {strides = array<i32>} : memref<128x768xf32, #tpu.memory_space<vmem>>, vector<1x16xf32>,
        %parallel_loop3A_307 = arith.addi %mul3A_108, %parallel_loop3A_124 : i32
        %parallel_loop3A_308 = arith.index_cast %parallel_loop3A_307 : i32 to index
        %parallel_loop3A_309 = arith.constant 208 : index
        %parallel_loop3A_310 = tpu.vector_load %arg6[%parallel_loop3A_308, %parallel_loop3A_309] {strides = array<i32>} : memref<128x768xf32, #tpu.memory_space<vmem>>, vector<1x16xf32>,
        %parallel_loop3A_311 = vector.shape_cast %parallel_loop3A_310 : vector<1x16xf32> to vector<16xf32>
        %parallel_loop3A_312 = arith.constant 27.7128124 : f32
        %parallel_loop3A_313 = vector.broadcast %parallel_loop3A_312 : f32 to vector<16xf32>
        %parallel_loop3A_314 = arith.mulf %parallel_loop3A_311, %parallel_loop3A_313 : vector<16xf32>
        %parallel_loop3A_315 = arith.addi %mul3A_108, %parallel_loop3A_124 : i32
        %parallel_loop3A_316 = arith.index_cast %parallel_loop3A_315 : i32 to index
        %parallel_loop3A_317 = arith.constant 208 : index
        %parallel_loop3A_318 = tpu.vector_load %arg6[%parallel_loop3A_316, %parallel_loop3A_317] {strides = array<i32>} : memref<128x768xf32, #tpu.memory_space<vmem>>, vector<1x16xf32>,
        %parallel_loop3A_319 = vector.shape_cast %parallel_loop3A_318 : vector<1x16xf32> to vector<16xf32>
        %parallel_loop3A_320 = vector.shape_cast %parallel_loop3A_314 : vector<16xf32> to vector<1x16xf32>
        tpu.vector_store %arg6[%parallel_loop3A_316, %parallel_loop3A_317], %parallel_loop3A_320 {strides = array<i32>} : memref<128x768xf32, #tpu.memory_space<vmem>>, vector<1x16xf32>,
        %parallel_loop3A_321 = arith.addi %mul3A_108, %parallel_loop3A_124 : i32
        %parallel_loop3A_322 = arith.index_cast %parallel_loop3A_321 : i32 to index
        %parallel_loop3A_323 = arith.constant 224 : index
        %parallel_loop3A_324 = tpu.vector_load %arg6[%parallel_loop3A_322, %parallel_loop3A_323] {strides = array<i32>} : memref<128x768xf32, #tpu.memory_space<vmem>>, vector<1x16xf32>,
        %parallel_loop3A_325 = vector.shape_cast %parallel_loop3A_324 : vector<1x16xf32> to vector<16xf32>
        %parallel_loop3A_326 = arith.constant 27.7128124 : f32
        %parallel_loop3A_327 = vector.broadcast %parallel_loop3A_326 : f32 to vector<16xf32>
        %parallel_loop3A_328 = arith.mulf %parallel_loop3A_325, %parallel_loop3A_327 : vector<16xf32>
        %parallel_loop3A_329 = arith.addi %mul3A_108, %parallel_loop3A_124 : i32
        %parallel_loop3A_330 = arith.index_cast %parallel_loop3A_329 : i32 to index
        %parallel_loop3A_331 = arith.constant 224 : index
        %parallel_loop3A_332 = tpu.vector_load %arg6[%parallel_loop3A_330, %parallel_loop3A_331] {strides = array<i32>} : memref<128x768xf32, #tpu.memory_space<vmem>>, vector<1x16xf32>,
        %parallel_loop3A_333 = vector.shape_cast %parallel_loop3A_332 : vector<1x16xf32> to vector<16xf32>
        %parallel_loop3A_334 = vector.shape_cast %parallel_loop3A_328 : vector<16xf32> to vector<1x16xf32>
        tpu.vector_store %arg6[%parallel_loop3A_330, %parallel_loop3A_331], %parallel_loop3A_334 {strides = array<i32>} : memref<128x768xf32, #tpu.memory_space<vmem>>, vector<1x16xf32>,
        %parallel_loop3A_335 = arith.addi %mul3A_108, %parallel_loop3A_124 : i32
        %parallel_loop3A_336 = arith.index_cast %parallel_loop3A_335 : i32 to index
        %parallel_loop3A_337 = arith.constant 240 : index
        %parallel_loop3A_338 = tpu.vector_load %arg6[%parallel_loop3A_336, %parallel_loop3A_337] {strides = array<i32>} : memref<128x768xf32, #tpu.memory_space<vmem>>, vector<1x16xf32>,
        %parallel_loop3A_339 = vector.shape_cast %parallel_loop3A_338 : vector<1x16xf32> to vector<16xf32>
        %parallel_loop3A_340 = arith.constant 27.7128124 : f32
        %parallel_loop3A_341 = vector.broadcast %parallel_loop3A_340 : f32 to vector<16xf32>
        %parallel_loop3A_342 = arith.mulf %parallel_loop3A_339, %parallel_loop3A_341 : vector<16xf32>
        %parallel_loop3A_343 = arith.addi %mul3A_108, %parallel_loop3A_124 : i32
        %parallel_loop3A_344 = arith.index_cast %parallel_loop3A_343 : i32 to index
        %parallel_loop3A_345 = arith.constant 240 : index
        %parallel_loop3A_346 = tpu.vector_load %arg6[%parallel_loop3A_344, %parallel_loop3A_345] {strides = array<i32>} : memref<128x768xf32, #tpu.memory_space<vmem>>, vector<1x16xf32>,
        %parallel_loop3A_347 = vector.shape_cast %parallel_loop3A_346 : vector<1x16xf32> to vector<16xf32>
        %parallel_loop3A_348 = vector.shape_cast %parallel_loop3A_342 : vector<16xf32> to vector<1x16xf32>
        tpu.vector_store %arg6[%parallel_loop3A_344, %parallel_loop3A_345], %parallel_loop3A_348 {strides = array<i32>} : memref<128x768xf32, #tpu.memory_space<vmem>>, vector<1x16xf32>,
        %parallel_loop3A_349 = arith.addi %mul3A_108, %parallel_loop3A_124 : i32
        %parallel_loop3A_350 = arith.index_cast %parallel_loop3A_349 : i32 to index
        %parallel_loop3A_351 = arith.constant 256 : index
        %parallel_loop3A_352 = tpu.vector_load %arg6[%parallel_loop3A_350, %parallel_loop3A_351] {strides = array<i32>} : memref<128x768xf32, #tpu.memory_space<vmem>>, vector<1x16xf32>,
        %parallel_loop3A_353 = vector.shape_cast %parallel_loop3A_352 : vector<1x16xf32> to vector<16xf32>
        %parallel_loop3A_354 = arith.constant 27.7128124 : f32
        %parallel_loop3A_355 = vector.broadcast %parallel_loop3A_354 : f32 to vector<16xf32>
        %parallel_loop3A_356 = arith.mulf %parallel_loop3A_353, %parallel_loop3A_355 : vector<16xf32>
        %parallel_loop3A_357 = arith.addi %mul3A_108, %parallel_loop3A_124 : i32
        %parallel_loop3A_358 = arith.index_cast %parallel_loop3A_357 : i32 to index
        %parallel_loop3A_359 = arith.constant 256 : index
        %parallel_loop3A_360 = tpu.vector_load %arg6[%parallel_loop3A_358, %parallel_loop3A_359] {strides = array<i32>} : memref<128x768xf32, #tpu.memory_space<vmem>>, vector<1x16xf32>,
        %parallel_loop3A_361 = vector.shape_cast %parallel_loop3A_360 : vector<1x16xf32> to vector<16xf32>
        %parallel_loop3A_362 = vector.shape_cast %parallel_loop3A_356 : vector<16xf32> to vector<1x16xf32>
        tpu.vector_store %arg6[%parallel_loop3A_358, %parallel_loop3A_359], %parallel_loop3A_362 {strides = array<i32>} : memref<128x768xf32, #tpu.memory_space<vmem>>, vector<1x16xf32>,
        %parallel_loop3A_363 = arith.addi %mul3A_108, %parallel_loop3A_124 : i32
        %parallel_loop3A_364 = arith.index_cast %parallel_loop3A_363 : i32 to index
        %parallel_loop3A_365 = arith.constant 272 : index
        %parallel_loop3A_366 = tpu.vector_load %arg6[%parallel_loop3A_364, %parallel_loop3A_365] {strides = array<i32>} : memref<128x768xf32, #tpu.memory_space<vmem>>, vector<1x16xf32>,
        %parallel_loop3A_367 = vector.shape_cast %parallel_loop3A_366 : vector<1x16xf32> to vector<16xf32>
        %parallel_loop3A_368 = arith.constant 27.7128124 : f32
        %parallel_loop3A_369 = vector.broadcast %parallel_loop3A_368 : f32 to vector<16xf32>
        %parallel_loop3A_370 = arith.mulf %parallel_loop3A_367, %parallel_loop3A_369 : vector<16xf32>
        %parallel_loop3A_371 = arith.addi %mul3A_108, %parallel_loop3A_124 : i32
        %parallel_loop3A_372 = arith.index_cast %parallel_loop3A_371 : i32 to index
        %parallel_loop3A_373 = arith.constant 272 : index
        %parallel_loop3A_374 = tpu.vector_load %arg6[%parallel_loop3A_372, %parallel_loop3A_373] {strides = array<i32>} : memref<128x768xf32, #tpu.memory_space<vmem>>, vector<1x16xf32>,
        %parallel_loop3A_375 = vector.shape_cast %parallel_loop3A_374 : vector<1x16xf32> to vector<16xf32>
        %parallel_loop3A_376 = vector.shape_cast %parallel_loop3A_370 : vector<16xf32> to vector<1x16xf32>
        tpu.vector_store %arg6[%parallel_loop3A_372, %parallel_loop3A_373], %parallel_loop3A_376 {strides = array<i32>} : memref<128x768xf32, #tpu.memory_space<vmem>>, vector<1x16xf32>,
        %parallel_loop3A_377 = arith.addi %mul3A_108, %parallel_loop3A_124 : i32
        %parallel_loop3A_378 = arith.index_cast %parallel_loop3A_377 : i32 to index
        %parallel_loop3A_379 = arith.constant 288 : index
        %parallel_loop3A_380 = tpu.vector_load %arg6[%parallel_loop3A_378, %parallel_loop3A_379] {strides = array<i32>} : memref<128x768xf32, #tpu.memory_space<vmem>>, vector<1x16xf32>,
        %parallel_loop3A_381 = vector.shape_cast %parallel_loop3A_380 : vector<1x16xf32> to vector<16xf32>
        %parallel_loop3A_382 = arith.constant 27.7128124 : f32
        %parallel_loop3A_383 = vector.broadcast %parallel_loop3A_382 : f32 to vector<16xf32>
        %parallel_loop3A_384 = arith.mulf %parallel_loop3A_381, %parallel_loop3A_383 : vector<16xf32>
        %parallel_loop3A_385 = arith.addi %mul3A_108, %parallel_loop3A_124 : i32
        %parallel_loop3A_386 = arith.index_cast %parallel_loop3A_385 : i32 to index
        %parallel_loop3A_387 = arith.constant 288 : index
        %parallel_loop3A_388 = tpu.vector_load %arg6[%parallel_loop3A_386, %parallel_loop3A_387] {strides = array<i32>} : memref<128x768xf32, #tpu.memory_space<vmem>>, vector<1x16xf32>,
        %parallel_loop3A_389 = vector.shape_cast %parallel_loop3A_388 : vector<1x16xf32> to vector<16xf32>
        %parallel_loop3A_390 = vector.shape_cast %parallel_loop3A_384 : vector<16xf32> to vector<1x16xf32>
        tpu.vector_store %arg6[%parallel_loop3A_386, %parallel_loop3A_387], %parallel_loop3A_390 {strides = array<i32>} : memref<128x768xf32, #tpu.memory_space<vmem>>, vector<1x16xf32>,
        %parallel_loop3A_391 = arith.addi %mul3A_108, %parallel_loop3A_124 : i32
        %parallel_loop3A_392 = arith.index_cast %parallel_loop3A_391 : i32 to index
        %parallel_loop3A_393 = arith.constant 304 : index
        %parallel_loop3A_394 = tpu.vector_load %arg6[%parallel_loop3A_392, %parallel_loop3A_393] {strides = array<i32>} : memref<128x768xf32, #tpu.memory_space<vmem>>, vector<1x16xf32>,
        %parallel_loop3A_395 = vector.shape_cast %parallel_loop3A_394 : vector<1x16xf32> to vector<16xf32>
        %parallel_loop3A_396 = arith.constant 27.7128124 : f32
        %parallel_loop3A_397 = vector.broadcast %parallel_loop3A_396 : f32 to vector<16xf32>
        %parallel_loop3A_398 = arith.mulf %parallel_loop3A_395, %parallel_loop3A_397 : vector<16xf32>
        %parallel_loop3A_399 = arith.addi %mul3A_108, %parallel_loop3A_124 : i32
        %parallel_loop3A_400 = arith.index_cast %parallel_loop3A_399 : i32 to index
        %parallel_loop3A_401 = arith.constant 304 : index
        %parallel_loop3A_402 = tpu.vector_load %arg6[%parallel_loop3A_400, %parallel_loop3A_401] {strides = array<i32>} : memref<128x768xf32, #tpu.memory_space<vmem>>, vector<1x16xf32>,
        %parallel_loop3A_403 = vector.shape_cast %parallel_loop3A_402 : vector<1x16xf32> to vector<16xf32>
        %parallel_loop3A_404 = vector.shape_cast %parallel_loop3A_398 : vector<16xf32> to vector<1x16xf32>
        tpu.vector_store %arg6[%parallel_loop3A_400, %parallel_loop3A_401], %parallel_loop3A_404 {strides = array<i32>} : memref<128x768xf32, #tpu.memory_space<vmem>>, vector<1x16xf32>,
        %parallel_loop3A_405 = arith.addi %mul3A_108, %parallel_loop3A_124 : i32
        %parallel_loop3A_406 = arith.index_cast %parallel_loop3A_405 : i32 to index
        %parallel_loop3A_407 = arith.constant 320 : index
        %parallel_loop3A_408 = tpu.vector_load %arg6[%parallel_loop3A_406, %parallel_loop3A_407] {strides = array<i32>} : memref<128x768xf32, #tpu.memory_space<vmem>>, vector<1x16xf32>,
        %parallel_loop3A_409 = vector.shape_cast %parallel_loop3A_408 : vector<1x16xf32> to vector<16xf32>
        %parallel_loop3A_410 = arith.constant 27.7128124 : f32
        %parallel_loop3A_411 = vector.broadcast %parallel_loop3A_410 : f32 to vector<16xf32>
        %parallel_loop3A_412 = arith.mulf %parallel_loop3A_409, %parallel_loop3A_411 : vector<16xf32>
        %parallel_loop3A_413 = arith.addi %mul3A_108, %parallel_loop3A_124 : i32
        %parallel_loop3A_414 = arith.index_cast %parallel_loop3A_413 : i32 to index
        %parallel_loop3A_415 = arith.constant 320 : index
        %parallel_loop3A_416 = tpu.vector_load %arg6[%parallel_loop3A_414, %parallel_loop3A_415] {strides = array<i32>} : memref<128x768xf32, #tpu.memory_space<vmem>>, vector<1x16xf32>,
        %parallel_loop3A_417 = vector.shape_cast %parallel_loop3A_416 : vector<1x16xf32> to vector<16xf32>
        %parallel_loop3A_418 = vector.shape_cast %parallel_loop3A_412 : vector<16xf32> to vector<1x16xf32>
        tpu.vector_store %arg6[%parallel_loop3A_414, %parallel_loop3A_415], %parallel_loop3A_418 {strides = array<i32>} : memref<128x768xf32, #tpu.memory_space<vmem>>, vector<1x16xf32>,
        %parallel_loop3A_419 = arith.addi %mul3A_108, %parallel_loop3A_124 : i32
        %parallel_loop3A_420 = arith.index_cast %parallel_loop3A_419 : i32 to index
        %parallel_loop3A_421 = arith.constant 336 : index
        %parallel_loop3A_422 = tpu.vector_load %arg6[%parallel_loop3A_420, %parallel_loop3A_421] {strides = array<i32>} : memref<128x768xf32, #tpu.memory_space<vmem>>, vector<1x16xf32>,
        %parallel_loop3A_423 = vector.shape_cast %parallel_loop3A_422 : vector<1x16xf32> to vector<16xf32>
        %parallel_loop3A_424 = arith.constant 27.7128124 : f32
        %parallel_loop3A_425 = vector.broadcast %parallel_loop3A_424 : f32 to vector<16xf32>
        %parallel_loop3A_426 = arith.mulf %parallel_loop3A_423, %parallel_loop3A_425 : vector<16xf32>
        %parallel_loop3A_427 = arith.addi %mul3A_108, %parallel_loop3A_124 : i32
        %parallel_loop3A_428 = arith.index_cast %parallel_loop3A_427 : i32 to index
        %parallel_loop3A_429 = arith.constant 336 : index
        %parallel_loop3A_430 = tpu.vector_load %arg6[%parallel_loop3A_428, %parallel_loop3A_429] {strides = array<i32>} : memref<128x768xf32, #tpu.memory_space<vmem>>, vector<1x16xf32>,
        %parallel_loop3A_431 = vector.shape_cast %parallel_loop3A_430 : vector<1x16xf32> to vector<16xf32>
        %parallel_loop3A_432 = vector.shape_cast %parallel_loop3A_426 : vector<16xf32> to vector<1x16xf32>
        tpu.vector_store %arg6[%parallel_loop3A_428, %parallel_loop3A_429], %parallel_loop3A_432 {strides = array<i32>} : memref<128x768xf32, #tpu.memory_space<vmem>>, vector<1x16xf32>,
        %parallel_loop3A_433 = arith.addi %mul3A_108, %parallel_loop3A_124 : i32
        %parallel_loop3A_434 = arith.index_cast %parallel_loop3A_433 : i32 to index
        %parallel_loop3A_435 = arith.constant 352 : index
        %parallel_loop3A_436 = tpu.vector_load %arg6[%parallel_loop3A_434, %parallel_loop3A_435] {strides = array<i32>} : memref<128x768xf32, #tpu.memory_space<vmem>>, vector<1x16xf32>,
        %parallel_loop3A_437 = vector.shape_cast %parallel_loop3A_436 : vector<1x16xf32> to vector<16xf32>
        %parallel_loop3A_438 = arith.constant 27.7128124 : f32
        %parallel_loop3A_439 = vector.broadcast %parallel_loop3A_438 : f32 to vector<16xf32>
        %parallel_loop3A_440 = arith.mulf %parallel_loop3A_437, %parallel_loop3A_439 : vector<16xf32>
        %parallel_loop3A_441 = arith.addi %mul3A_108, %parallel_loop3A_124 : i32
        %parallel_loop3A_442 = arith.index_cast %parallel_loop3A_441 : i32 to index
        %parallel_loop3A_443 = arith.constant 352 : index
        %parallel_loop3A_444 = tpu.vector_load %arg6[%parallel_loop3A_442, %parallel_loop3A_443] {strides = array<i32>} : memref<128x768xf32, #tpu.memory_space<vmem>>, vector<1x16xf32>,
        %parallel_loop3A_445 = vector.shape_cast %parallel_loop3A_444 : vector<1x16xf32> to vector<16xf32>
        %parallel_loop3A_446 = vector.shape_cast %parallel_loop3A_440 : vector<16xf32> to vector<1x16xf32>
        tpu.vector_store %arg6[%parallel_loop3A_442, %parallel_loop3A_443], %parallel_loop3A_446 {strides = array<i32>} : memref<128x768xf32, #tpu.memory_space<vmem>>, vector<1x16xf32>,
        %parallel_loop3A_447 = arith.addi %mul3A_108, %parallel_loop3A_124 : i32
        %parallel_loop3A_448 = arith.index_cast %parallel_loop3A_447 : i32 to index
        %parallel_loop3A_449 = arith.constant 368 : index
        %parallel_loop3A_450 = tpu.vector_load %arg6[%parallel_loop3A_448, %parallel_loop3A_449] {strides = array<i32>} : memref<128x768xf32, #tpu.memory_space<vmem>>, vector<1x16xf32>,
        %parallel_loop3A_451 = vector.shape_cast %parallel_loop3A_450 : vector<1x16xf32> to vector<16xf32>
        %parallel_loop3A_452 = arith.constant 27.7128124 : f32
        %parallel_loop3A_453 = vector.broadcast %parallel_loop3A_452 : f32 to vector<16xf32>
        %parallel_loop3A_454 = arith.mulf %parallel_loop3A_451, %parallel_loop3A_453 : vector<16xf32>
        %parallel_loop3A_455 = arith.addi %mul3A_108, %parallel_loop3A_124 : i32
        %parallel_loop3A_456 = arith.index_cast %parallel_loop3A_455 : i32 to index
        %parallel_loop3A_457 = arith.constant 368 : index
        %parallel_loop3A_458 = tpu.vector_load %arg6[%parallel_loop3A_456, %parallel_loop3A_457] {strides = array<i32>} : memref<128x768xf32, #tpu.memory_space<vmem>>, vector<1x16xf32>,
        %parallel_loop3A_459 = vector.shape_cast %parallel_loop3A_458 : vector<1x16xf32> to vector<16xf32>
        %parallel_loop3A_460 = vector.shape_cast %parallel_loop3A_454 : vector<16xf32> to vector<1x16xf32>
        tpu.vector_store %arg6[%parallel_loop3A_456, %parallel_loop3A_457], %parallel_loop3A_460 {strides = array<i32>} : memref<128x768xf32, #tpu.memory_space<vmem>>, vector<1x16xf32>,
        %parallel_loop3A_461 = arith.addi %mul3A_108, %parallel_loop3A_124 : i32
        %parallel_loop3A_462 = arith.index_cast %parallel_loop3A_461 : i32 to index
        %parallel_loop3A_463 = arith.constant 384 : index
        %parallel_loop3A_464 = tpu.vector_load %arg6[%parallel_loop3A_462, %parallel_loop3A_463] {strides = array<i32>} : memref<128x768xf32, #tpu.memory_space<vmem>>, vector<1x16xf32>,
        %parallel_loop3A_465 = vector.shape_cast %parallel_loop3A_464 : vector<1x16xf32> to vector<16xf32>
        %parallel_loop3A_466 = arith.constant 27.7128124 : f32
        %parallel_loop3A_467 = vector.broadcast %parallel_loop3A_466 : f32 to vector<16xf32>
        %parallel_loop3A_468 = arith.mulf %parallel_loop3A_465, %parallel_loop3A_467 : vector<16xf32>
        %parallel_loop3A_469 = arith.addi %mul3A_108, %parallel_loop3A_124 : i32
        %parallel_loop3A_470 = arith.index_cast %parallel_loop3A_469 : i32 to index
        %parallel_loop3A_471 = arith.constant 384 : index
        %parallel_loop3A_472 = tpu.vector_load %arg6[%parallel_loop3A_470, %parallel_loop3A_471] {strides = array<i32>} : memref<128x768xf32, #tpu.memory_space<vmem>>, vector<1x16xf32>,
        %parallel_loop3A_473 = vector.shape_cast %parallel_loop3A_472 : vector<1x16xf32> to vector<16xf32>
        %parallel_loop3A_474 = vector.shape_cast %parallel_loop3A_468 : vector<16xf32> to vector<1x16xf32>
        tpu.vector_store %arg6[%parallel_loop3A_470, %parallel_loop3A_471], %parallel_loop3A_474 {strides = array<i32>} : memref<128x768xf32, #tpu.memory_space<vmem>>, vector<1x16xf32>,
        %parallel_loop3A_475 = arith.addi %mul3A_108, %parallel_loop3A_124 : i32
        %parallel_loop3A_476 = arith.index_cast %parallel_loop3A_475 : i32 to index
        %parallel_loop3A_477 = arith.constant 400 : index
        %parallel_loop3A_478 = tpu.vector_load %arg6[%parallel_loop3A_476, %parallel_loop3A_477] {strides = array<i32>} : memref<128x768xf32, #tpu.memory_space<vmem>>, vector<1x16xf32>,
        %parallel_loop3A_479 = vector.shape_cast %parallel_loop3A_478 : vector<1x16xf32> to vector<16xf32>
        %parallel_loop3A_480 = arith.constant 27.7128124 : f32
        %parallel_loop3A_481 = vector.broadcast %parallel_loop3A_480 : f32 to vector<16xf32>
        %parallel_loop3A_482 = arith.mulf %parallel_loop3A_479, %parallel_loop3A_481 : vector<16xf32>
        %parallel_loop3A_483 = arith.addi %mul3A_108, %parallel_loop3A_124 : i32
        %parallel_loop3A_484 = arith.index_cast %parallel_loop3A_483 : i32 to index
        %parallel_loop3A_485 = arith.constant 400 : index
        %parallel_loop3A_486 = tpu.vector_load %arg6[%parallel_loop3A_484, %parallel_loop3A_485] {strides = array<i32>} : memref<128x768xf32, #tpu.memory_space<vmem>>, vector<1x16xf32>,
        %parallel_loop3A_487 = vector.shape_cast %parallel_loop3A_486 : vector<1x16xf32> to vector<16xf32>
        %parallel_loop3A_488 = vector.shape_cast %parallel_loop3A_482 : vector<16xf32> to vector<1x16xf32>
        tpu.vector_store %arg6[%parallel_loop3A_484, %parallel_loop3A_485], %parallel_loop3A_488 {strides = array<i32>} : memref<128x768xf32, #tpu.memory_space<vmem>>, vector<1x16xf32>,
        %parallel_loop3A_489 = arith.addi %mul3A_108, %parallel_loop3A_124 : i32
        %parallel_loop3A_490 = arith.index_cast %parallel_loop3A_489 : i32 to index
        %parallel_loop3A_491 = arith.constant 416 : index
        %parallel_loop3A_492 = tpu.vector_load %arg6[%parallel_loop3A_490, %parallel_loop3A_491] {strides = array<i32>} : memref<128x768xf32, #tpu.memory_space<vmem>>, vector<1x16xf32>,
        %parallel_loop3A_493 = vector.shape_cast %parallel_loop3A_492 : vector<1x16xf32> to vector<16xf32>
        %parallel_loop3A_494 = arith.constant 27.7128124 : f32
        %parallel_loop3A_495 = vector.broadcast %parallel_loop3A_494 : f32 to vector<16xf32>
        %parallel_loop3A_496 = arith.mulf %parallel_loop3A_493, %parallel_loop3A_495 : vector<16xf32>
        %parallel_loop3A_497 = arith.addi %mul3A_108, %parallel_loop3A_124 : i32
        %parallel_loop3A_498 = arith.index_cast %parallel_loop3A_497 : i32 to index
        %parallel_loop3A_499 = arith.constant 416 : index
        %parallel_loop3A_500 = tpu.vector_load %arg6[%parallel_loop3A_498, %parallel_loop3A_499] {strides = array<i32>} : memref<128x768xf32, #tpu.memory_space<vmem>>, vector<1x16xf32>,
        %parallel_loop3A_501 = vector.shape_cast %parallel_loop3A_500 : vector<1x16xf32> to vector<16xf32>
        %parallel_loop3A_502 = vector.shape_cast %parallel_loop3A_496 : vector<16xf32> to vector<1x16xf32>
        tpu.vector_store %arg6[%parallel_loop3A_498, %parallel_loop3A_499], %parallel_loop3A_502 {strides = array<i32>} : memref<128x768xf32, #tpu.memory_space<vmem>>, vector<1x16xf32>,
        %parallel_loop3A_503 = arith.addi %mul3A_108, %parallel_loop3A_124 : i32
        %parallel_loop3A_504 = arith.index_cast %parallel_loop3A_503 : i32 to index
        %parallel_loop3A_505 = arith.constant 432 : index
        %parallel_loop3A_506 = tpu.vector_load %arg6[%parallel_loop3A_504, %parallel_loop3A_505] {strides = array<i32>} : memref<128x768xf32, #tpu.memory_space<vmem>>, vector<1x16xf32>,
        %parallel_loop3A_507 = vector.shape_cast %parallel_loop3A_506 : vector<1x16xf32> to vector<16xf32>
        %parallel_loop3A_508 = arith.constant 27.7128124 : f32
        %parallel_loop3A_509 = vector.broadcast %parallel_loop3A_508 : f32 to vector<16xf32>
        %parallel_loop3A_510 = arith.mulf %parallel_loop3A_507, %parallel_loop3A_509 : vector<16xf32>
        %parallel_loop3A_511 = arith.addi %mul3A_108, %parallel_loop3A_124 : i32
        %parallel_loop3A_512 = arith.index_cast %parallel_loop3A_511 : i32 to index
        %parallel_loop3A_513 = arith.constant 432 : index
        %parallel_loop3A_514 = tpu.vector_load %arg6[%parallel_loop3A_512, %parallel_loop3A_513] {strides = array<i32>} : memref<128x768xf32, #tpu.memory_space<vmem>>, vector<1x16xf32>,
        %parallel_loop3A_515 = vector.shape_cast %parallel_loop3A_514 : vector<1x16xf32> to vector<16xf32>
        %parallel_loop3A_516 = vector.shape_cast %parallel_loop3A_510 : vector<16xf32> to vector<1x16xf32>
        tpu.vector_store %arg6[%parallel_loop3A_512, %parallel_loop3A_513], %parallel_loop3A_516 {strides = array<i32>} : memref<128x768xf32, #tpu.memory_space<vmem>>, vector<1x16xf32>,
        %parallel_loop3A_517 = arith.addi %mul3A_108, %parallel_loop3A_124 : i32
        %parallel_loop3A_518 = arith.index_cast %parallel_loop3A_517 : i32 to index
        %parallel_loop3A_519 = arith.constant 448 : index
        %parallel_loop3A_520 = tpu.vector_load %arg6[%parallel_loop3A_518, %parallel_loop3A_519] {strides = array<i32>} : memref<128x768xf32, #tpu.memory_space<vmem>>, vector<1x16xf32>,
        %parallel_loop3A_521 = vector.shape_cast %parallel_loop3A_520 : vector<1x16xf32> to vector<16xf32>
        %parallel_loop3A_522 = arith.constant 27.7128124 : f32
        %parallel_loop3A_523 = vector.broadcast %parallel_loop3A_522 : f32 to vector<16xf32>
        %parallel_loop3A_524 = arith.mulf %parallel_loop3A_521, %parallel_loop3A_523 : vector<16xf32>
        %parallel_loop3A_525 = arith.addi %mul3A_108, %parallel_loop3A_124 : i32
        %parallel_loop3A_526 = arith.index_cast %parallel_loop3A_525 : i32 to index
        %parallel_loop3A_527 = arith.constant 448 : index
        %parallel_loop3A_528 = tpu.vector_load %arg6[%parallel_loop3A_526, %parallel_loop3A_527] {strides = array<i32>} : memref<128x768xf32, #tpu.memory_space<vmem>>, vector<1x16xf32>,
        %parallel_loop3A_529 = vector.shape_cast %parallel_loop3A_528 : vector<1x16xf32> to vector<16xf32>
        %parallel_loop3A_530 = vector.shape_cast %parallel_loop3A_524 : vector<16xf32> to vector<1x16xf32>
        tpu.vector_store %arg6[%parallel_loop3A_526, %parallel_loop3A_527], %parallel_loop3A_530 {strides = array<i32>} : memref<128x768xf32, #tpu.memory_space<vmem>>, vector<1x16xf32>,
        %parallel_loop3A_531 = arith.addi %mul3A_108, %parallel_loop3A_124 : i32
        %parallel_loop3A_532 = arith.index_cast %parallel_loop3A_531 : i32 to index
        %parallel_loop3A_533 = arith.constant 464 : index
        %parallel_loop3A_534 = tpu.vector_load %arg6[%parallel_loop3A_532, %parallel_loop3A_533] {strides = array<i32>} : memref<128x768xf32, #tpu.memory_space<vmem>>, vector<1x16xf32>,
        %parallel_loop3A_535 = vector.shape_cast %parallel_loop3A_534 : vector<1x16xf32> to vector<16xf32>
        %parallel_loop3A_536 = arith.constant 27.7128124 : f32
        %parallel_loop3A_537 = vector.broadcast %parallel_loop3A_536 : f32 to vector<16xf32>
        %parallel_loop3A_538 = arith.mulf %parallel_loop3A_535, %parallel_loop3A_537 : vector<16xf32>
        %parallel_loop3A_539 = arith.addi %mul3A_108, %parallel_loop3A_124 : i32
        %parallel_loop3A_540 = arith.index_cast %parallel_loop3A_539 : i32 to index
        %parallel_loop3A_541 = arith.constant 464 : index
        %parallel_loop3A_542 = tpu.vector_load %arg6[%parallel_loop3A_540, %parallel_loop3A_541] {strides = array<i32>} : memref<128x768xf32, #tpu.memory_space<vmem>>, vector<1x16xf32>,
        %parallel_loop3A_543 = vector.shape_cast %parallel_loop3A_542 : vector<1x16xf32> to vector<16xf32>
        %parallel_loop3A_544 = vector.shape_cast %parallel_loop3A_538 : vector<16xf32> to vector<1x16xf32>
        tpu.vector_store %arg6[%parallel_loop3A_540, %parallel_loop3A_541], %parallel_loop3A_544 {strides = array<i32>} : memref<128x768xf32, #tpu.memory_space<vmem>>, vector<1x16xf32>,
        %parallel_loop3A_545 = arith.addi %mul3A_108, %parallel_loop3A_124 : i32
        %parallel_loop3A_546 = arith.index_cast %parallel_loop3A_545 : i32 to index
        %parallel_loop3A_547 = arith.constant 480 : index
        %parallel_loop3A_548 = tpu.vector_load %arg6[%parallel_loop3A_546, %parallel_loop3A_547] {strides = array<i32>} : memref<128x768xf32, #tpu.memory_space<vmem>>, vector<1x16xf32>,
        %parallel_loop3A_549 = vector.shape_cast %parallel_loop3A_548 : vector<1x16xf32> to vector<16xf32>
        %parallel_loop3A_550 = arith.constant 27.7128124 : f32
        %parallel_loop3A_551 = vector.broadcast %parallel_loop3A_550 : f32 to vector<16xf32>
        %parallel_loop3A_552 = arith.mulf %parallel_loop3A_549, %parallel_loop3A_551 : vector<16xf32>
        %parallel_loop3A_553 = arith.addi %mul3A_108, %parallel_loop3A_124 : i32
        %parallel_loop3A_554 = arith.index_cast %parallel_loop3A_553 : i32 to index
        %parallel_loop3A_555 = arith.constant 480 : index
        %parallel_loop3A_556 = tpu.vector_load %arg6[%parallel_loop3A_554, %parallel_loop3A_555] {strides = array<i32>} : memref<128x768xf32, #tpu.memory_space<vmem>>, vector<1x16xf32>,
        %parallel_loop3A_557 = vector.shape_cast %parallel_loop3A_556 : vector<1x16xf32> to vector<16xf32>
        %parallel_loop3A_558 = vector.shape_cast %parallel_loop3A_552 : vector<16xf32> to vector<1x16xf32>
        tpu.vector_store %arg6[%parallel_loop3A_554, %parallel_loop3A_555], %parallel_loop3A_558 {strides = array<i32>} : memref<128x768xf32, #tpu.memory_space<vmem>>, vector<1x16xf32>,
        %parallel_loop3A_559 = arith.addi %mul3A_108, %parallel_loop3A_124 : i32
        %parallel_loop3A_560 = arith.index_cast %parallel_loop3A_559 : i32 to index
        %parallel_loop3A_561 = arith.constant 496 : index
        %parallel_loop3A_562 = tpu.vector_load %arg6[%parallel_loop3A_560, %parallel_loop3A_561] {strides = array<i32>} : memref<128x768xf32, #tpu.memory_space<vmem>>, vector<1x16xf32>,
        %parallel_loop3A_563 = vector.shape_cast %parallel_loop3A_562 : vector<1x16xf32> to vector<16xf32>
        %parallel_loop3A_564 = arith.constant 27.7128124 : f32
        %parallel_loop3A_565 = vector.broadcast %parallel_loop3A_564 : f32 to vector<16xf32>
        %parallel_loop3A_566 = arith.mulf %parallel_loop3A_563, %parallel_loop3A_565 : vector<16xf32>
        %parallel_loop3A_567 = arith.addi %mul3A_108, %parallel_loop3A_124 : i32
        %parallel_loop3A_568 = arith.index_cast %parallel_loop3A_567 : i32 to index
        %parallel_loop3A_569 = arith.constant 496 : index
        %parallel_loop3A_570 = tpu.vector_load %arg6[%parallel_loop3A_568, %parallel_loop3A_569] {strides = array<i32>} : memref<128x768xf32, #tpu.memory_space<vmem>>, vector<1x16xf32>,
        %parallel_loop3A_571 = vector.shape_cast %parallel_loop3A_570 : vector<1x16xf32> to vector<16xf32>
        %parallel_loop3A_572 = vector.shape_cast %parallel_loop3A_566 : vector<16xf32> to vector<1x16xf32>
        tpu.vector_store %arg6[%parallel_loop3A_568, %parallel_loop3A_569], %parallel_loop3A_572 {strides = array<i32>} : memref<128x768xf32, #tpu.memory_space<vmem>>, vector<1x16xf32>,
        %parallel_loop3A_573 = arith.addi %mul3A_108, %parallel_loop3A_124 : i32
        %parallel_loop3A_574 = arith.index_cast %parallel_loop3A_573 : i32 to index
        %parallel_loop3A_575 = arith.constant 512 : index
        %parallel_loop3A_576 = tpu.vector_load %arg6[%parallel_loop3A_574, %parallel_loop3A_575] {strides = array<i32>} : memref<128x768xf32, #tpu.memory_space<vmem>>, vector<1x16xf32>,
        %parallel_loop3A_577 = vector.shape_cast %parallel_loop3A_576 : vector<1x16xf32> to vector<16xf32>
        %parallel_loop3A_578 = arith.constant 27.7128124 : f32
        %parallel_loop3A_579 = vector.broadcast %parallel_loop3A_578 : f32 to vector<16xf32>
        %parallel_loop3A_580 = arith.mulf %parallel_loop3A_577, %parallel_loop3A_579 : vector<16xf32>
        %parallel_loop3A_581 = arith.addi %mul3A_108, %parallel_loop3A_124 : i32
        %parallel_loop3A_582 = arith.index_cast %parallel_loop3A_581 : i32 to index
        %parallel_loop3A_583 = arith.constant 512 : index
        %parallel_loop3A_584 = tpu.vector_load %arg6[%parallel_loop3A_582, %parallel_loop3A_583] {strides = array<i32>} : memref<128x768xf32, #tpu.memory_space<vmem>>, vector<1x16xf32>,
        %parallel_loop3A_585 = vector.shape_cast %parallel_loop3A_584 : vector<1x16xf32> to vector<16xf32>
        %parallel_loop3A_586 = vector.shape_cast %parallel_loop3A_580 : vector<16xf32> to vector<1x16xf32>
        tpu.vector_store %arg6[%parallel_loop3A_582, %parallel_loop3A_583], %parallel_loop3A_586 {strides = array<i32>} : memref<128x768xf32, #tpu.memory_space<vmem>>, vector<1x16xf32>,
        %parallel_loop3A_587 = arith.addi %mul3A_108, %parallel_loop3A_124 : i32
        %parallel_loop3A_588 = arith.index_cast %parallel_loop3A_587 : i32 to index
        %parallel_loop3A_589 = arith.constant 528 : index
        %parallel_loop3A_590 = tpu.vector_load %arg6[%parallel_loop3A_588, %parallel_loop3A_589] {strides = array<i32>} : memref<128x768xf32, #tpu.memory_space<vmem>>, vector<1x16xf32>,
        %parallel_loop3A_591 = vector.shape_cast %parallel_loop3A_590 : vector<1x16xf32> to vector<16xf32>
        %parallel_loop3A_592 = arith.constant 27.7128124 : f32
        %parallel_loop3A_593 = vector.broadcast %parallel_loop3A_592 : f32 to vector<16xf32>
        %parallel_loop3A_594 = arith.mulf %parallel_loop3A_591, %parallel_loop3A_593 : vector<16xf32>
        %parallel_loop3A_595 = arith.addi %mul3A_108, %parallel_loop3A_124 : i32
        %parallel_loop3A_596 = arith.index_cast %parallel_loop3A_595 : i32 to index
        %parallel_loop3A_597 = arith.constant 528 : index
        %parallel_loop3A_598 = tpu.vector_load %arg6[%parallel_loop3A_596, %parallel_loop3A_597] {strides = array<i32>} : memref<128x768xf32, #tpu.memory_space<vmem>>, vector<1x16xf32>,
        %parallel_loop3A_599 = vector.shape_cast %parallel_loop3A_598 : vector<1x16xf32> to vector<16xf32>
        %parallel_loop3A_600 = vector.shape_cast %parallel_loop3A_594 : vector<16xf32> to vector<1x16xf32>
        tpu.vector_store %arg6[%parallel_loop3A_596, %parallel_loop3A_597], %parallel_loop3A_600 {strides = array<i32>} : memref<128x768xf32, #tpu.memory_space<vmem>>, vector<1x16xf32>,
        %parallel_loop3A_601 = arith.addi %mul3A_108, %parallel_loop3A_124 : i32
        %parallel_loop3A_602 = arith.index_cast %parallel_loop3A_601 : i32 to index
        %parallel_loop3A_603 = arith.constant 544 : index
        %parallel_loop3A_604 = tpu.vector_load %arg6[%parallel_loop3A_602, %parallel_loop3A_603] {strides = array<i32>} : memref<128x768xf32, #tpu.memory_space<vmem>>, vector<1x16xf32>,
        %parallel_loop3A_605 = vector.shape_cast %parallel_loop3A_604 : vector<1x16xf32> to vector<16xf32>
        %parallel_loop3A_606 = arith.constant 27.7128124 : f32
        %parallel_loop3A_607 = vector.broadcast %parallel_loop3A_606 : f32 to vector<16xf32>
        %parallel_loop3A_608 = arith.mulf %parallel_loop3A_605, %parallel_loop3A_607 : vector<16xf32>
        %parallel_loop3A_609 = arith.addi %mul3A_108, %parallel_loop3A_124 : i32
        %parallel_loop3A_610 = arith.index_cast %parallel_loop3A_609 : i32 to index
        %parallel_loop3A_611 = arith.constant 544 : index
        %parallel_loop3A_612 = tpu.vector_load %arg6[%parallel_loop3A_610, %parallel_loop3A_611] {strides = array<i32>} : memref<128x768xf32, #tpu.memory_space<vmem>>, vector<1x16xf32>,
        %parallel_loop3A_613 = vector.shape_cast %parallel_loop3A_612 : vector<1x16xf32> to vector<16xf32>
        %parallel_loop3A_614 = vector.shape_cast %parallel_loop3A_608 : vector<16xf32> to vector<1x16xf32>
        tpu.vector_store %arg6[%parallel_loop3A_610, %parallel_loop3A_611], %parallel_loop3A_614 {strides = array<i32>} : memref<128x768xf32, #tpu.memory_space<vmem>>, vector<1x16xf32>,
        %parallel_loop3A_615 = arith.addi %mul3A_108, %parallel_loop3A_124 : i32
        %parallel_loop3A_616 = arith.index_cast %parallel_loop3A_615 : i32 to index
        %parallel_loop3A_617 = arith.constant 560 : index
        %parallel_loop3A_618 = tpu.vector_load %arg6[%parallel_loop3A_616, %parallel_loop3A_617] {strides = array<i32>} : memref<128x768xf32, #tpu.memory_space<vmem>>, vector<1x16xf32>,
        %parallel_loop3A_619 = vector.shape_cast %parallel_loop3A_618 : vector<1x16xf32> to vector<16xf32>
        %parallel_loop3A_620 = arith.constant 27.7128124 : f32
        %parallel_loop3A_621 = vector.broadcast %parallel_loop3A_620 : f32 to vector<16xf32>
        %parallel_loop3A_622 = arith.mulf %parallel_loop3A_619, %parallel_loop3A_621 : vector<16xf32>
        %parallel_loop3A_623 = arith.addi %mul3A_108, %parallel_loop3A_124 : i32
        %parallel_loop3A_624 = arith.index_cast %parallel_loop3A_623 : i32 to index
        %parallel_loop3A_625 = arith.constant 560 : index
        %parallel_loop3A_626 = tpu.vector_load %arg6[%parallel_loop3A_624, %parallel_loop3A_625] {strides = array<i32>} : memref<128x768xf32, #tpu.memory_space<vmem>>, vector<1x16xf32>,
        %parallel_loop3A_627 = vector.shape_cast %parallel_loop3A_626 : vector<1x16xf32> to vector<16xf32>
        %parallel_loop3A_628 = vector.shape_cast %parallel_loop3A_622 : vector<16xf32> to vector<1x16xf32>
        tpu.vector_store %arg6[%parallel_loop3A_624, %parallel_loop3A_625], %parallel_loop3A_628 {strides = array<i32>} : memref<128x768xf32, #tpu.memory_space<vmem>>, vector<1x16xf32>,
        %parallel_loop3A_629 = arith.addi %mul3A_108, %parallel_loop3A_124 : i32
        %parallel_loop3A_630 = arith.index_cast %parallel_loop3A_629 : i32 to index
        %parallel_loop3A_631 = arith.constant 576 : index
        %parallel_loop3A_632 = tpu.vector_load %arg6[%parallel_loop3A_630, %parallel_loop3A_631] {strides = array<i32>} : memref<128x768xf32, #tpu.memory_space<vmem>>, vector<1x16xf32>,
        %parallel_loop3A_633 = vector.shape_cast %parallel_loop3A_632 : vector<1x16xf32> to vector<16xf32>
        %parallel_loop3A_634 = arith.constant 27.7128124 : f32
        %parallel_loop3A_635 = vector.broadcast %parallel_loop3A_634 : f32 to vector<16xf32>
        %parallel_loop3A_636 = arith.mulf %parallel_loop3A_633, %parallel_loop3A_635 : vector<16xf32>
        %parallel_loop3A_637 = arith.addi %mul3A_108, %parallel_loop3A_124 : i32
        %parallel_loop3A_638 = arith.index_cast %parallel_loop3A_637 : i32 to index
        %parallel_loop3A_639 = arith.constant 576 : index
        %parallel_loop3A_640 = tpu.vector_load %arg6[%parallel_loop3A_638, %parallel_loop3A_639] {strides = array<i32>} : memref<128x768xf32, #tpu.memory_space<vmem>>, vector<1x16xf32>,
        %parallel_loop3A_641 = vector.shape_cast %parallel_loop3A_640 : vector<1x16xf32> to vector<16xf32>
        %parallel_loop3A_642 = vector.shape_cast %parallel_loop3A_636 : vector<16xf32> to vector<1x16xf32>
        tpu.vector_store %arg6[%parallel_loop3A_638, %parallel_loop3A_639], %parallel_loop3A_642 {strides = array<i32>} : memref<128x768xf32, #tpu.memory_space<vmem>>, vector<1x16xf32>,
        %parallel_loop3A_643 = arith.addi %mul3A_108, %parallel_loop3A_124 : i32
        %parallel_loop3A_644 = arith.index_cast %parallel_loop3A_643 : i32 to index
        %parallel_loop3A_645 = arith.constant 592 : index
        %parallel_loop3A_646 = tpu.vector_load %arg6[%parallel_loop3A_644, %parallel_loop3A_645] {strides = array<i32>} : memref<128x768xf32, #tpu.memory_space<vmem>>, vector<1x16xf32>,
        %parallel_loop3A_647 = vector.shape_cast %parallel_loop3A_646 : vector<1x16xf32> to vector<16xf32>
        %parallel_loop3A_648 = arith.constant 27.7128124 : f32
        %parallel_loop3A_649 = vector.broadcast %parallel_loop3A_648 : f32 to vector<16xf32>
        %parallel_loop3A_650 = arith.mulf %parallel_loop3A_647, %parallel_loop3A_649 : vector<16xf32>
        %parallel_loop3A_651 = arith.addi %mul3A_108, %parallel_loop3A_124 : i32
        %parallel_loop3A_652 = arith.index_cast %parallel_loop3A_651 : i32 to index
        %parallel_loop3A_653 = arith.constant 592 : index
        %parallel_loop3A_654 = tpu.vector_load %arg6[%parallel_loop3A_652, %parallel_loop3A_653] {strides = array<i32>} : memref<128x768xf32, #tpu.memory_space<vmem>>, vector<1x16xf32>,
        %parallel_loop3A_655 = vector.shape_cast %parallel_loop3A_654 : vector<1x16xf32> to vector<16xf32>
        %parallel_loop3A_656 = vector.shape_cast %parallel_loop3A_650 : vector<16xf32> to vector<1x16xf32>
        tpu.vector_store %arg6[%parallel_loop3A_652, %parallel_loop3A_653], %parallel_loop3A_656 {strides = array<i32>} : memref<128x768xf32, #tpu.memory_space<vmem>>, vector<1x16xf32>,
        %parallel_loop3A_657 = arith.addi %mul3A_108, %parallel_loop3A_124 : i32
        %parallel_loop3A_658 = arith.index_cast %parallel_loop3A_657 : i32 to index
        %parallel_loop3A_659 = arith.constant 608 : index
        %parallel_loop3A_660 = tpu.vector_load %arg6[%parallel_loop3A_658, %parallel_loop3A_659] {strides = array<i32>} : memref<128x768xf32, #tpu.memory_space<vmem>>, vector<1x16xf32>,
        %parallel_loop3A_661 = vector.shape_cast %parallel_loop3A_660 : vector<1x16xf32> to vector<16xf32>
        %parallel_loop3A_662 = arith.constant 27.7128124 : f32
        %parallel_loop3A_663 = vector.broadcast %parallel_loop3A_662 : f32 to vector<16xf32>
        %parallel_loop3A_664 = arith.mulf %parallel_loop3A_661, %parallel_loop3A_663 : vector<16xf32>
        %parallel_loop3A_665 = arith.addi %mul3A_108, %parallel_loop3A_124 : i32
        %parallel_loop3A_666 = arith.index_cast %parallel_loop3A_665 : i32 to index
        %parallel_loop3A_667 = arith.constant 608 : index
        %parallel_loop3A_668 = tpu.vector_load %arg6[%parallel_loop3A_666, %parallel_loop3A_667] {strides = array<i32>} : memref<128x768xf32, #tpu.memory_space<vmem>>, vector<1x16xf32>,
        %parallel_loop3A_669 = vector.shape_cast %parallel_loop3A_668 : vector<1x16xf32> to vector<16xf32>
        %parallel_loop3A_670 = vector.shape_cast %parallel_loop3A_664 : vector<16xf32> to vector<1x16xf32>
        tpu.vector_store %arg6[%parallel_loop3A_666, %parallel_loop3A_667], %parallel_loop3A_670 {strides = array<i32>} : memref<128x768xf32, #tpu.memory_space<vmem>>, vector<1x16xf32>,
        %parallel_loop3A_671 = arith.addi %mul3A_108, %parallel_loop3A_124 : i32
        %parallel_loop3A_672 = arith.index_cast %parallel_loop3A_671 : i32 to index
        %parallel_loop3A_673 = arith.constant 624 : index
        %parallel_loop3A_674 = tpu.vector_load %arg6[%parallel_loop3A_672, %parallel_loop3A_673] {strides = array<i32>} : memref<128x768xf32, #tpu.memory_space<vmem>>, vector<1x16xf32>,
        %parallel_loop3A_675 = vector.shape_cast %parallel_loop3A_674 : vector<1x16xf32> to vector<16xf32>
        %parallel_loop3A_676 = arith.constant 27.7128124 : f32
        %parallel_loop3A_677 = vector.broadcast %parallel_loop3A_676 : f32 to vector<16xf32>
        %parallel_loop3A_678 = arith.mulf %parallel_loop3A_675, %parallel_loop3A_677 : vector<16xf32>
        %parallel_loop3A_679 = arith.addi %mul3A_108, %parallel_loop3A_124 : i32
        %parallel_loop3A_680 = arith.index_cast %parallel_loop3A_679 : i32 to index
        %parallel_loop3A_681 = arith.constant 624 : index
        %parallel_loop3A_682 = tpu.vector_load %arg6[%parallel_loop3A_680, %parallel_loop3A_681] {strides = array<i32>} : memref<128x768xf32, #tpu.memory_space<vmem>>, vector<1x16xf32>,
        %parallel_loop3A_683 = vector.shape_cast %parallel_loop3A_682 : vector<1x16xf32> to vector<16xf32>
        %parallel_loop3A_684 = vector.shape_cast %parallel_loop3A_678 : vector<16xf32> to vector<1x16xf32>
        tpu.vector_store %arg6[%parallel_loop3A_680, %parallel_loop3A_681], %parallel_loop3A_684 {strides = array<i32>} : memref<128x768xf32, #tpu.memory_space<vmem>>, vector<1x16xf32>,
        %parallel_loop3A_685 = arith.addi %mul3A_108, %parallel_loop3A_124 : i32
        %parallel_loop3A_686 = arith.index_cast %parallel_loop3A_685 : i32 to index
        %parallel_loop3A_687 = arith.constant 640 : index
        %parallel_loop3A_688 = tpu.vector_load %arg6[%parallel_loop3A_686, %parallel_loop3A_687] {strides = array<i32>} : memref<128x768xf32, #tpu.memory_space<vmem>>, vector<1x16xf32>,
        %parallel_loop3A_689 = vector.shape_cast %parallel_loop3A_688 : vector<1x16xf32> to vector<16xf32>
        %parallel_loop3A_690 = arith.constant 27.7128124 : f32
        %parallel_loop3A_691 = vector.broadcast %parallel_loop3A_690 : f32 to vector<16xf32>
        %parallel_loop3A_692 = arith.mulf %parallel_loop3A_689, %parallel_loop3A_691 : vector<16xf32>
        %parallel_loop3A_693 = arith.addi %mul3A_108, %parallel_loop3A_124 : i32
        %parallel_loop3A_694 = arith.index_cast %parallel_loop3A_693 : i32 to index
        %parallel_loop3A_695 = arith.constant 640 : index
        %parallel_loop3A_696 = tpu.vector_load %arg6[%parallel_loop3A_694, %parallel_loop3A_695] {strides = array<i32>} : memref<128x768xf32, #tpu.memory_space<vmem>>, vector<1x16xf32>,
        %parallel_loop3A_697 = vector.shape_cast %parallel_loop3A_696 : vector<1x16xf32> to vector<16xf32>
        %parallel_loop3A_698 = vector.shape_cast %parallel_loop3A_692 : vector<16xf32> to vector<1x16xf32>
        tpu.vector_store %arg6[%parallel_loop3A_694, %parallel_loop3A_695], %parallel_loop3A_698 {strides = array<i32>} : memref<128x768xf32, #tpu.memory_space<vmem>>, vector<1x16xf32>,
        %parallel_loop3A_699 = arith.addi %mul3A_108, %parallel_loop3A_124 : i32
        %parallel_loop3A_700 = arith.index_cast %parallel_loop3A_699 : i32 to index
        %parallel_loop3A_701 = arith.constant 656 : index
        %parallel_loop3A_702 = tpu.vector_load %arg6[%parallel_loop3A_700, %parallel_loop3A_701] {strides = array<i32>} : memref<128x768xf32, #tpu.memory_space<vmem>>, vector<1x16xf32>,
        %parallel_loop3A_703 = vector.shape_cast %parallel_loop3A_702 : vector<1x16xf32> to vector<16xf32>
        %parallel_loop3A_704 = arith.constant 27.7128124 : f32
        %parallel_loop3A_705 = vector.broadcast %parallel_loop3A_704 : f32 to vector<16xf32>
        %parallel_loop3A_706 = arith.mulf %parallel_loop3A_703, %parallel_loop3A_705 : vector<16xf32>
        %parallel_loop3A_707 = arith.addi %mul3A_108, %parallel_loop3A_124 : i32
        %parallel_loop3A_708 = arith.index_cast %parallel_loop3A_707 : i32 to index
        %parallel_loop3A_709 = arith.constant 656 : index
        %parallel_loop3A_710 = tpu.vector_load %arg6[%parallel_loop3A_708, %parallel_loop3A_709] {strides = array<i32>} : memref<128x768xf32, #tpu.memory_space<vmem>>, vector<1x16xf32>,
        %parallel_loop3A_711 = vector.shape_cast %parallel_loop3A_710 : vector<1x16xf32> to vector<16xf32>
        %parallel_loop3A_712 = vector.shape_cast %parallel_loop3A_706 : vector<16xf32> to vector<1x16xf32>
        tpu.vector_store %arg6[%parallel_loop3A_708, %parallel_loop3A_709], %parallel_loop3A_712 {strides = array<i32>} : memref<128x768xf32, #tpu.memory_space<vmem>>, vector<1x16xf32>,
        %parallel_loop3A_713 = arith.addi %mul3A_108, %parallel_loop3A_124 : i32
        %parallel_loop3A_714 = arith.index_cast %parallel_loop3A_713 : i32 to index
        %parallel_loop3A_715 = arith.constant 672 : index
        %parallel_loop3A_716 = tpu.vector_load %arg6[%parallel_loop3A_714, %parallel_loop3A_715] {strides = array<i32>} : memref<128x768xf32, #tpu.memory_space<vmem>>, vector<1x16xf32>,
        %parallel_loop3A_717 = vector.shape_cast %parallel_loop3A_716 : vector<1x16xf32> to vector<16xf32>
        %parallel_loop3A_718 = arith.constant 27.7128124 : f32
        %parallel_loop3A_719 = vector.broadcast %parallel_loop3A_718 : f32 to vector<16xf32>
        %parallel_loop3A_720 = arith.mulf %parallel_loop3A_717, %parallel_loop3A_719 : vector<16xf32>
        %parallel_loop3A_721 = arith.addi %mul3A_108, %parallel_loop3A_124 : i32
        %parallel_loop3A_722 = arith.index_cast %parallel_loop3A_721 : i32 to index
        %parallel_loop3A_723 = arith.constant 672 : index
        %parallel_loop3A_724 = tpu.vector_load %arg6[%parallel_loop3A_722, %parallel_loop3A_723] {strides = array<i32>} : memref<128x768xf32, #tpu.memory_space<vmem>>, vector<1x16xf32>,
        %parallel_loop3A_725 = vector.shape_cast %parallel_loop3A_724 : vector<1x16xf32> to vector<16xf32>
        %parallel_loop3A_726 = vector.shape_cast %parallel_loop3A_720 : vector<16xf32> to vector<1x16xf32>
        tpu.vector_store %arg6[%parallel_loop3A_722, %parallel_loop3A_723], %parallel_loop3A_726 {strides = array<i32>} : memref<128x768xf32, #tpu.memory_space<vmem>>, vector<1x16xf32>,
        %parallel_loop3A_727 = arith.addi %mul3A_108, %parallel_loop3A_124 : i32
        %parallel_loop3A_728 = arith.index_cast %parallel_loop3A_727 : i32 to index
        %parallel_loop3A_729 = arith.constant 688 : index
        %parallel_loop3A_730 = tpu.vector_load %arg6[%parallel_loop3A_728, %parallel_loop3A_729] {strides = array<i32>} : memref<128x768xf32, #tpu.memory_space<vmem>>, vector<1x16xf32>,
        %parallel_loop3A_731 = vector.shape_cast %parallel_loop3A_730 : vector<1x16xf32> to vector<16xf32>
        %parallel_loop3A_732 = arith.constant 27.7128124 : f32
        %parallel_loop3A_733 = vector.broadcast %parallel_loop3A_732 : f32 to vector<16xf32>
        %parallel_loop3A_734 = arith.mulf %parallel_loop3A_731, %parallel_loop3A_733 : vector<16xf32>
        %parallel_loop3A_735 = arith.addi %mul3A_108, %parallel_loop3A_124 : i32
        %parallel_loop3A_736 = arith.index_cast %parallel_loop3A_735 : i32 to index
        %parallel_loop3A_737 = arith.constant 688 : index
        %parallel_loop3A_738 = tpu.vector_load %arg6[%parallel_loop3A_736, %parallel_loop3A_737] {strides = array<i32>} : memref<128x768xf32, #tpu.memory_space<vmem>>, vector<1x16xf32>,
        %parallel_loop3A_739 = vector.shape_cast %parallel_loop3A_738 : vector<1x16xf32> to vector<16xf32>
        %parallel_loop3A_740 = vector.shape_cast %parallel_loop3A_734 : vector<16xf32> to vector<1x16xf32>
        tpu.vector_store %arg6[%parallel_loop3A_736, %parallel_loop3A_737], %parallel_loop3A_740 {strides = array<i32>} : memref<128x768xf32, #tpu.memory_space<vmem>>, vector<1x16xf32>,
        %parallel_loop3A_741 = arith.addi %mul3A_108, %parallel_loop3A_124 : i32
        %parallel_loop3A_742 = arith.index_cast %parallel_loop3A_741 : i32 to index
        %parallel_loop3A_743 = arith.constant 704 : index
        %parallel_loop3A_744 = tpu.vector_load %arg6[%parallel_loop3A_742, %parallel_loop3A_743] {strides = array<i32>} : memref<128x768xf32, #tpu.memory_space<vmem>>, vector<1x16xf32>,
        %parallel_loop3A_745 = vector.shape_cast %parallel_loop3A_744 : vector<1x16xf32> to vector<16xf32>
        %parallel_loop3A_746 = arith.constant 27.7128124 : f32
        %parallel_loop3A_747 = vector.broadcast %parallel_loop3A_746 : f32 to vector<16xf32>
        %parallel_loop3A_748 = arith.mulf %parallel_loop3A_745, %parallel_loop3A_747 : vector<16xf32>
        %parallel_loop3A_749 = arith.addi %mul3A_108, %parallel_loop3A_124 : i32
        %parallel_loop3A_750 = arith.index_cast %parallel_loop3A_749 : i32 to index
        %parallel_loop3A_751 = arith.constant 704 : index
        %parallel_loop3A_752 = tpu.vector_load %arg6[%parallel_loop3A_750, %parallel_loop3A_751] {strides = array<i32>} : memref<128x768xf32, #tpu.memory_space<vmem>>, vector<1x16xf32>,
        %parallel_loop3A_753 = vector.shape_cast %parallel_loop3A_752 : vector<1x16xf32> to vector<16xf32>
        %parallel_loop3A_754 = vector.shape_cast %parallel_loop3A_748 : vector<16xf32> to vector<1x16xf32>
        tpu.vector_store %arg6[%parallel_loop3A_750, %parallel_loop3A_751], %parallel_loop3A_754 {strides = array<i32>} : memref<128x768xf32, #tpu.memory_space<vmem>>, vector<1x16xf32>,
        %parallel_loop3A_755 = arith.addi %mul3A_108, %parallel_loop3A_124 : i32
        %parallel_loop3A_756 = arith.index_cast %parallel_loop3A_755 : i32 to index
        %parallel_loop3A_757 = arith.constant 720 : index
        %parallel_loop3A_758 = tpu.vector_load %arg6[%parallel_loop3A_756, %parallel_loop3A_757] {strides = array<i32>} : memref<128x768xf32, #tpu.memory_space<vmem>>, vector<1x16xf32>,
        %parallel_loop3A_759 = vector.shape_cast %parallel_loop3A_758 : vector<1x16xf32> to vector<16xf32>
        %parallel_loop3A_760 = arith.constant 27.7128124 : f32
        %parallel_loop3A_761 = vector.broadcast %parallel_loop3A_760 : f32 to vector<16xf32>
        %parallel_loop3A_762 = arith.mulf %parallel_loop3A_759, %parallel_loop3A_761 : vector<16xf32>
        %parallel_loop3A_763 = arith.addi %mul3A_108, %parallel_loop3A_124 : i32
        %parallel_loop3A_764 = arith.index_cast %parallel_loop3A_763 : i32 to index
        %parallel_loop3A_765 = arith.constant 720 : index
        %parallel_loop3A_766 = tpu.vector_load %arg6[%parallel_loop3A_764, %parallel_loop3A_765] {strides = array<i32>} : memref<128x768xf32, #tpu.memory_space<vmem>>, vector<1x16xf32>,
        %parallel_loop3A_767 = vector.shape_cast %parallel_loop3A_766 : vector<1x16xf32> to vector<16xf32>
        %parallel_loop3A_768 = vector.shape_cast %parallel_loop3A_762 : vector<16xf32> to vector<1x16xf32>
        tpu.vector_store %arg6[%parallel_loop3A_764, %parallel_loop3A_765], %parallel_loop3A_768 {strides = array<i32>} : memref<128x768xf32, #tpu.memory_space<vmem>>, vector<1x16xf32>,
        %parallel_loop3A_769 = arith.addi %mul3A_108, %parallel_loop3A_124 : i32
        %parallel_loop3A_770 = arith.index_cast %parallel_loop3A_769 : i32 to index
        %parallel_loop3A_771 = arith.constant 736 : index
        %parallel_loop3A_772 = tpu.vector_load %arg6[%parallel_loop3A_770, %parallel_loop3A_771] {strides = array<i32>} : memref<128x768xf32, #tpu.memory_space<vmem>>, vector<1x16xf32>,
        %parallel_loop3A_773 = vector.shape_cast %parallel_loop3A_772 : vector<1x16xf32> to vector<16xf32>
        %parallel_loop3A_774 = arith.constant 27.7128124 : f32
        %parallel_loop3A_775 = vector.broadcast %parallel_loop3A_774 : f32 to vector<16xf32>
        %parallel_loop3A_776 = arith.mulf %parallel_loop3A_773, %parallel_loop3A_775 : vector<16xf32>
        %parallel_loop3A_777 = arith.addi %mul3A_108, %parallel_loop3A_124 : i32
        %parallel_loop3A_778 = arith.index_cast %parallel_loop3A_777 : i32 to index
        %parallel_loop3A_779 = arith.constant 736 : index
        %parallel_loop3A_780 = tpu.vector_load %arg6[%parallel_loop3A_778, %parallel_loop3A_779] {strides = array<i32>} : memref<128x768xf32, #tpu.memory_space<vmem>>, vector<1x16xf32>,
        %parallel_loop3A_781 = vector.shape_cast %parallel_loop3A_780 : vector<1x16xf32> to vector<16xf32>
        %parallel_loop3A_782 = vector.shape_cast %parallel_loop3A_776 : vector<16xf32> to vector<1x16xf32>
        tpu.vector_store %arg6[%parallel_loop3A_778, %parallel_loop3A_779], %parallel_loop3A_782 {strides = array<i32>} : memref<128x768xf32, #tpu.memory_space<vmem>>, vector<1x16xf32>,
        %parallel_loop3A_783 = arith.addi %mul3A_108, %parallel_loop3A_124 : i32
        %parallel_loop3A_784 = arith.index_cast %parallel_loop3A_783 : i32 to index
        %parallel_loop3A_785 = arith.constant 752 : index
        %parallel_loop3A_786 = tpu.vector_load %arg6[%parallel_loop3A_784, %parallel_loop3A_785] {strides = array<i32>} : memref<128x768xf32, #tpu.memory_space<vmem>>, vector<1x16xf32>,
        %parallel_loop3A_787 = vector.shape_cast %parallel_loop3A_786 : vector<1x16xf32> to vector<16xf32>
        %parallel_loop3A_788 = arith.constant 27.7128124 : f32
        %parallel_loop3A_789 = vector.broadcast %parallel_loop3A_788 : f32 to vector<16xf32>
        %parallel_loop3A_790 = arith.mulf %parallel_loop3A_787, %parallel_loop3A_789 : vector<16xf32>
        %parallel_loop3A_791 = arith.addi %mul3A_108, %parallel_loop3A_124 : i32
        %parallel_loop3A_792 = arith.index_cast %parallel_loop3A_791 : i32 to index
        %parallel_loop3A_793 = arith.constant 752 : index
        %parallel_loop3A_794 = tpu.vector_load %arg6[%parallel_loop3A_792, %parallel_loop3A_793] {strides = array<i32>} : memref<128x768xf32, #tpu.memory_space<vmem>>, vector<1x16xf32>,
        %parallel_loop3A_795 = vector.shape_cast %parallel_loop3A_794 : vector<1x16xf32> to vector<16xf32>
        %parallel_loop3A_796 = vector.shape_cast %parallel_loop3A_790 : vector<16xf32> to vector<1x16xf32>
        tpu.vector_store %arg6[%parallel_loop3A_792, %parallel_loop3A_793], %parallel_loop3A_796 {strides = array<i32>} : memref<128x768xf32, #tpu.memory_space<vmem>>, vector<1x16xf32>,
      } {sc.loop_unroll_factor = 2 : i64, sc.parallel_access}
      %mul3A_111 = arith.constant 32 : i32
      %mul3A_112 = arith.muli %scan3A_58, %mul3A_111 : i32
      %add3A_113 = arith.addi %mul3A_2, %mul3A_112 : i32
      %dma_start3A_114 = arith.constant 0 : i32
      %dma_start3A_115 = tpu.memref_slice %arg6[%mul3A_108, %dma_start3A_114] : memref<128x768xf32, #tpu.memory_space<vmem>> -> memref<32x768xf32, #tpu.memory_space<vmem>>
      %dma_start3A_116 = arith.constant 0 : i32
      %dma_start3A_117 = tpu.memref_slice %arg4[%add3A_113, %dma_start3A_116] : memref<32768x768xf32, #tpu.memory_space<hbm>> -> memref<32x768xf32, #tpu.memory_space<hbm>>
      %dma_start3A_118 = tpu.memref_slice %arg8[%select_n3A_67] : memref<4x!tpu.dma_semaphore, #tpu.memory_space<semaphore_mem>> -> memref<1x!tpu.dma_semaphore, #tpu.memory_space<semaphore_mem>>
      %dma_start3A_119 = tpu.memref_squeeze %dma_start3A_118 : memref<1x!tpu.dma_semaphore, #tpu.memory_space<semaphore_mem>> -> memref<!tpu.dma_semaphore, #tpu.memory_space<semaphore_mem>>
      %dma_start3A_120 = arith.constant 0 : i32
      %dma_start3A_121 = tpu.memref_slice %arg4[%add3A_113, %dma_start3A_120] : memref<32768x768xf32, #tpu.memory_space<hbm>> -> memref<32x768xf32, #tpu.memory_space<hbm>>
      %dma_start3A_122 = arith.constant 0 : i32
      %dma_start3A_123 = tpu.memref_slice %arg6[%mul3A_108, %dma_start3A_122] : memref<128x768xf32, #tpu.memory_space<vmem>> -> memref<32x768xf32, #tpu.memory_space<vmem>>
      tpu.enqueue_dma source(%dma_start3A_123 : memref<32x768xf32, #tpu.memory_space<vmem>>) target(%dma_start3A_121 : memref<32x768xf32, #tpu.memory_space<hbm>>) target_semaphore(%dma_start3A_119 : memref<!tpu.dma_semaphore, #tpu.memory_space<semaphore_mem>>)
    }
    %scan3A_32 = arith.constant 32 : i32
    %dma_wait3A = arith.constant 2 : i32
    %dma_wait3A_33 = arith.constant 64 : i32
    %dma_wait3A_34 = arith.constant 0 : i32
    %dma_wait3A_35 = tpu.memref_slice %arg6[%dma_wait3A_33, %dma_wait3A_34] : memref<128x768xf32, #tpu.memory_space<vmem>> -> memref<32x768xf32, #tpu.memory_space<vmem>>
    %dma_wait3A_36 = arith.constant 0 : i32
    %dma_wait3A_37 = tpu.memref_slice %arg4[%mul3A_2, %dma_wait3A_36] : memref<32768x768xf32, #tpu.memory_space<hbm>> -> memref<32x768xf32, #tpu.memory_space<hbm>>
    %dma_wait3A_38 = tpu.memref_slice %arg8[%dma_wait3A] : memref<4x!tpu.dma_semaphore, #tpu.memory_space<semaphore_mem>> -> memref<1x!tpu.dma_semaphore, #tpu.memory_space<semaphore_mem>>
    %dma_wait3A_39 = tpu.memref_squeeze %dma_wait3A_38 : memref<1x!tpu.dma_semaphore, #tpu.memory_space<semaphore_mem>> -> memref<!tpu.dma_semaphore, #tpu.memory_space<semaphore_mem>>
    %dma_wait3A_40 = arith.constant 0 : i32
    %dma_wait3A_41 = tpu.memref_slice %arg4[%mul3A_2, %dma_wait3A_40] : memref<32768x768xf32, #tpu.memory_space<hbm>> -> memref<32x768xf32, #tpu.memory_space<hbm>>
    %dma_wait3A_42 = arith.constant 64 : i32
    %dma_wait3A_43 = arith.constant 0 : i32
    %dma_wait3A_44 = tpu.memref_slice %arg6[%dma_wait3A_42, %dma_wait3A_43] : memref<128x768xf32, #tpu.memory_space<vmem>> -> memref<32x768xf32, #tpu.memory_space<vmem>>
    tpu.wait_dma2 semaphore(%dma_wait3A_39 : memref<!tpu.dma_semaphore, #tpu.memory_space<semaphore_mem>>) src(%dma_wait3A_44 : memref<32x768xf32, #tpu.memory_space<vmem>>) dst(%dma_wait3A_41 : memref<32x768xf32, #tpu.memory_space<hbm>>)
    %dma_wait3A_45 = arith.constant 3 : i32
    %dma_wait3A_46 = arith.constant 96 : i32
    %dma_wait3A_47 = arith.constant 0 : i32
    %dma_wait3A_48 = tpu.memref_slice %arg6[%dma_wait3A_46, %dma_wait3A_47] : memref<128x768xf32, #tpu.memory_space<vmem>> -> memref<32x768xf32, #tpu.memory_space<vmem>>
    %dma_wait3A_49 = arith.constant 0 : i32
    %dma_wait3A_50 = tpu.memref_slice %arg4[%mul3A_2, %dma_wait3A_49] : memref<32768x768xf32, #tpu.memory_space<hbm>> -> memref<32x768xf32, #tpu.memory_space<hbm>>
    %dma_wait3A_51 = tpu.memref_slice %arg8[%dma_wait3A_45] : memref<4x!tpu.dma_semaphore, #tpu.memory_space<semaphore_mem>> -> memref<1x!tpu.dma_semaphore, #tpu.memory_space<semaphore_mem>>
    %dma_wait3A_52 = tpu.memref_squeeze %dma_wait3A_51 : memref<1x!tpu.dma_semaphore, #tpu.memory_space<semaphore_mem>> -> memref<!tpu.dma_semaphore, #tpu.memory_space<semaphore_mem>>
    %dma_wait3A_53 = arith.constant 0 : i32
    %dma_wait3A_54 = tpu.memref_slice %arg4[%mul3A_2, %dma_wait3A_53] : memref<32768x768xf32, #tpu.memory_space<hbm>> -> memref<32x768xf32, #tpu.memory_space<hbm>>
    %dma_wait3A_55 = arith.constant 96 : i32
    %dma_wait3A_56 = arith.constant 0 : i32
    %dma_wait3A_57 = tpu.memref_slice %arg6[%dma_wait3A_55, %dma_wait3A_56] : memref<128x768xf32, #tpu.memory_space<vmem>> -> memref<32x768xf32, #tpu.memory_space<vmem>>
    tpu.wait_dma2 semaphore(%dma_wait3A_52 : memref<!tpu.dma_semaphore, #tpu.memory_space<semaphore_mem>>) src(%dma_wait3A_57 : memref<32x768xf32, #tpu.memory_space<vmem>>) dst(%dma_wait3A_54 : memref<32x768xf32, #tpu.memory_space<hbm>>)
    return
  }
}

</mosaic_0001>

<sc_bundles>
// kernel: kernel.3.cloned.1.call-start
scs
__scs_entry_jumppad:
0x0: {  	(pc) =	sbr.rel $0x88, $3  }
0x1: {  	(tag) =	ssettag $0x0;
	lr =	simm.s32 $0x1  }
0x2: {  	[smem:$0x3F9F] =	sst lr;
	_ =	strace $0xD0000000  }
0x3: {  	_ = 	snop  }
0x4: {  	_ = 	snop  }
0x5: {  	_ = 	snop  }
0x6: {  	_ = 	snop  }
0x7: {  	_ = 	snop  }
__scs_overlays_trampoline_lowered:
0x8: {  	[smem:$0x3FAE] =	sst s0  }
0x9: {  	[smem:$0x3FAF] =	sst s1  }
0xa: {  	[smem:$0x3FB0] =	sst s2  }
0xb: {  	[smem:$0x3FB1] =	sst s3  }
0xc: {  	[smem:$0x3FB2] =	sst s4  }
0xd: {  	[smem:$0x3FB3] =	sst s5  }
0xe: {  	[smem:$0x3FB4] =	sst s6  }
0xf: {  	[smem:$0x3FB5] =	sst s7  }
0x10: {  	[smem:$0x3FB6] =	sst s8  }
0x11: {  	[smem:$0x3FB7] =	sst s9;
	s0 =	simm.s32 @!p0 $0x0  }
0x12: {  	s1 =	sld [smem:$0x3F9D];
	s0 =	simm.s32 @p0 $0x1  }
0x13: {  	[smem:$0x3FB8] =	sst s0;
	s0 =	simm.s32 @!p1 $0x0  }
0x14: {  	s2 =	sld [smem:$0x3F9C];
	s0 =	simm.s32 @p1 $0x1  }
0x15: {  	[smem:$0x3FB9] =	sst s0;
	s0 =	simm.s32 @!p2 $0x0  }
0x16: {  	s3 =	sld [smem:$0x3FDB];
	s0 =	simm.s32 @p2 $0x1  }
0x17: {  	s4 =	simm.s32 $0x1BF5;
	[smem:$0x3FBB] =	sst s0  }
0x18: {  	s0 =	sld [smem:$0x3F9E];
	_ =	swait.ge [sflag:s4], $0x0  }
0x19: {  	s7 =	sld [smem:$0x3F9F]  }
0x1a: {  	s8 =	sadd.s32 $0xFFFFE003, lr  }
0x1b: {  	s9 =	sadd.s32 $0xFFFFFEF7, lr;
	s5 =	simm.s32 $0xFFFFFFFF;
	p2 =	slt.u32 s8, $0xFFFFF086  }
0x1c: {  	p1 =	slt.u32 s9, $0xF7A;
	s5 =	simm.s32 @!p2 $0x0  }
0x1d: {  	s5 =	simm.s32 @p1 $0x1;
	p0 =	seq.s32 s7, s2  }
0x1e: {  	s7 =	smul.u32 @!p0 $0xF7A, s2;
	p2 =	seq.s32 @!p0 s5, $0x0  }
0x1f: {  	s9 =	smul.u32 $0xF7A, s1;
	s8 =	simm.s32 @!p0 $0x1BF5;
	p2 =	por !p2, p0  }
0x20: {  	[sflag:s8] =	ssyncset.s32 @!p0 $0xFFFFF086;
	s6 =	sadd.s32 @!p0 s3, s7;
	s7 =	simm.s32 @!p0 $0x108  }
0x21: {  	s3 =	sadd.s32 s3, s9;
	s6 =	sadd.s32 @!p0 $0x88, s6;
	s7 =	simm.s32 @p2 $0x1082  }
0x22: {  	[simem:s7], [sflag:s8] =	dma.local @!p0 [hbm:s6], $0xF7A  }
0x23: {  	s9 =	sor.u32 $0xD0000000, s2;
	s6 =	simm.s32 $0x108;
	_ =	swait.ge @!p0 [sflag:s8], $0x0  }
0x24: {  	s3 =	sadd.s32 $0x88, s3;
	s6 =	simm.s32 @!p1 $0x1082;
	[sflag:s4] =	ssyncset.s32 $0xFFFFF086  }
0x25: {  	[simem:s6], [sflag:s4] =	dma.local [hbm:s3], $0xF7A  }
0x26: {  	[smem:$0x3F9F] =	sst s1;
	(tag) =	ssettag s2;
	_ =	strace s9  }
0x27: {  	s1 =	sld [smem:$0x3FAF]  }
0x28: {  	s2 =	sld [smem:$0x3FB0]  }
0x29: {  	s4 =	sld [smem:$0x3FB2]  }
0x2a: {  	p0 =	seq.s32 s5, $0x0;
	s5 =	sld [smem:$0x3FB3]  }
0x2b: {  	s6 =	sld [smem:$0x3FB4]  }
0x2c: {  	s7 =	sld [smem:$0x3FB5]  }
0x2d: {  	s3 =	simm.s32 $0x108;
	s8 =	sld [smem:$0x3FB6]  }
0x2e: {  	s3 =	simm.s32 @!p0 $0x1082;
	s9 =	sld [smem:$0x3FB7]  }
0x2f: {  	lr =	sadd.s32 s0, s3;
	s0 =	sld [smem:$0x3FAE]  }
0x30: {  	s3 =	sld [smem:$0x3FB1]  }
0x31: {  	[smem:$0x3FBA] =	sst s10  }
0x32: {  	s10 =	sld [smem:$0x3FB8];
	_ =	sdelay $0x3  }
0x33: {  	p0 =	seq.s32 s10, $0x1;
	s10 =	sld [smem:$0x3FBA];
	_ =	sdelay $0x3  }
0x34: {  	[smem:$0x3FBA] =	sst s10  }
0x35: {  	s10 =	sld [smem:$0x3FB9];
	_ =	sdelay $0x3  }
0x36: {  	p1 =	seq.s32 s10, $0x1;
	s10 =	sld [smem:$0x3FBA];
	_ =	sdelay $0x3  }
0x37: {  	[smem:$0x3FBA] =	sst s10  }
0x38: {  	s10 =	sld [smem:$0x3FBB]  }
0x39: {  	_ = 	snop;
	(pc) =	sbr.ind lr, $3  }
0x3a: {  	_ = 	snop  }
0x3b: {  	_ = 	snop  }
0x3c: {  	p2 =	seq.s32 s10, $0x1;
	s10 =	sld [smem:$0x3FBA]  }
0x3d: {  	_ =	shalt  }
0x3e: {  	_ =	shalt  }
0x3f: {  	_ =	shalt  }
0x40: {  	_ =	shalt  }
0x41: {  	_ =	shalt  }
0x42: {  	_ =	shalt  }
0x43: {  	_ =	shalt  }
0x44: {  	_ =	shalt  }
0x45: {  	_ =	shalt  }
0x46: {  	_ =	shalt  }
0x47: {  	_ =	shalt  }
0x48: {  	_ =	shalt  }
0x49: {  	_ =	shalt  }
0x4a: {  	_ =	shalt  }
0x4b: {  	_ =	shalt  }
0x4c: {  	_ =	shalt  }
0x4d: {  	_ =	shalt  }
0x4e: {  	_ =	shalt  }
0x4f: {  	_ =	shalt  }
0x50: {  	_ =	shalt  }
0x51: {  	_ =	shalt  }
0x52: {  	_ =	shalt  }
0x53: {  	_ =	shalt  }
0x54: {  	_ =	shalt  }
0x55: {  	_ =	shalt  }
0x56: {  	_ =	shalt  }
0x57: {  	_ =	shalt  }
0x58: {  	_ =	shalt  }
0x59: {  	_ =	shalt  }
0x5a: {  	_ =	shalt  }
0x5b: {  	_ =	shalt  }
0x5c: {  	_ =	shalt  }
0x5d: {  	_ =	shalt  }
0x5e: {  	_ =	shalt  }
0x5f: {  	_ =	shalt  }
0x60: {  	_ =	shalt  }
0x61: {  	_ =	shalt  }
0x62: {  	_ =	shalt  }
0x63: {  	_ =	shalt  }
0x64: {  	_ =	shalt  }
0x65: {  	_ =	shalt  }
0x66: {  	_ =	shalt  }
0x67: {  	_ =	shalt  }
0x68: {  	_ =	shalt  }
0x69: {  	_ =	shalt  }
0x6a: {  	_ =	shalt  }
0x6b: {  	_ =	shalt  }
0x6c: {  	_ =	shalt  }
0x6d: {  	_ =	shalt  }
0x6e: {  	_ =	shalt  }
0x6f: {  	_ =	shalt  }
0x70: {  	_ =	shalt  }
0x71: {  	_ =	shalt  }
0x72: {  	_ =	shalt  }
0x73: {  	_ =	shalt  }
0x74: {  	_ =	shalt  }
0x75: {  	_ =	shalt  }
0x76: {  	_ =	shalt  }
0x77: {  	_ =	shalt  }
0x78: {  	_ =	shalt  }
0x79: {  	_ =	shalt  }
0x7a: {  	_ =	shalt  }
0x7b: {  	_ =	shalt  }
0x7c: {  	_ =	shalt  }
0x7d: {  	_ =	shalt  }
0x7e: {  	_ =	shalt  }
0x7f: {  	_ =	shalt  }
0x80: {  	_ =	shalt  }
0x81: {  	_ =	shalt  }
0x82: {  	_ =	shalt  }
0x83: {  	_ =	shalt  }
0x84: {  	_ =	shalt  }
0x85: {  	_ =	shalt  }
0x86: {  	_ =	shalt  }
0x87: {  	_ =	shalt  }
.Lfunc_end0:
.L_simem_size_0:
called_computation_lowered:
.L_overlay_start_0:
0x88: {  	s2 =	sld [smem:$0x3FD9]  }
0x89: {  	s3 =	sld [smem:$0x3FFE];
	_ =	sdelay $0x1  }
0x8a: {  	s1 =	srdreg.scid  }
0x8b: {  	s0 =	sand.u32 $0x1, s1  }
0x8c: {  	s17 =	sshll.u32 s0, $0xA;
	s2 =	sadd.s32 s3, s2  }
0x8d: {  	s2 =	sadd.s32 s2, s17  }
0x8e: {  	[smem:$0x3FC6] =	sst s2  }
0x8f: {  	_ = 	snop  }
0x90: {  	s2 =	sld [smem:$0x3FC8]  }
0x91: {  	s18 =	sld [smem:$0x3FD0];
	(tm) =	ssettm $0x1  }
0x92: {  	s4 =	sld [smem:$0x3FFB];
	_ =	sdelay $0x3  }
0x93: {  	_ =	strace s4  }
0x94: {  	s4 =	sld [smem:$0x3FFC];
	_ =	sdelay $0x3  }
0x95: {  	_ =	strace s4  }
0x96: {  	s4 =	sld [smem:$0x3FFD];
	_ =	sdelay $0x3  }
0x97: {  	_ =	strace s4  }
0x98: {  	_ =	strace $0x8FFFFFFF  }
0x99: {  	s19 =	sld [smem:$0x3FDB];
	_ =	sdelay $0x1  }
0x9a: {  	s5 =	simm.s32 $_scs_section_size  }
0x9b: {  	s6 =	simm.s32 $_size__tile_overlayer_lowered;
	s7 =	simm.s32 $_tile_overlayer_lowered  }
0x9c: {  	s22 =	simm.s32 $0x1BFF;
	s21 =	sshll.u32 s7, $0x1;
	s4 =	sadd.s32 s5, s19  }
0x9d: {  	s8 =	simm.s32 $0x0;
	s20 =	sshll.u32 s6, $0x1;
	s6 =	sadd.s32 s21, s4  }
0x9e: {  	[timem:s8], [sflag:s22] =	dma.local [hbm:s6], s20  }
0x9f: {  	_ =	swait.ge [sflag:s22], s20  }
0xa0: {  	s5 =	ssub.s32 $0x0, s20;
	[sflag:s22] =	ssyncset.done $0x0  }
0xa1: {  	[sflag:s22] =	ssyncadd.s32 s5;
	_ =	sdelay $0x1  }
0xa2: {  	s23 =	simm.s32 $0x1B8B  }
0xa3: {  	_ =	swait.ge [sflag:s23], $0x1  }
0xa4: {  	[sflag:s23] =	ssyncset.done $0x0  }
0xa5: {  	s25 =	simm.s32 $0x1B8E;
	s24 =	sld [smem:$0x3FFE];
	[sflag:s23] =	ssyncadd.s32 $0xFFFFFFFF  }
0xa6: {  	s26 =	simm.s32 $execute0_lowered;
	[smem:$0x3FD2] =	sst s25  }
0xa7: {  	s6 =	sshll.u32 s26, $0x1;
	_ =	strace $0x80000046;
	[dreg:$0x1] =	wrdreg $0xFFFFFFFF  }
0xa8: {  	s28 =	simm.s32 $_size_execute0_lowered;
	s4 =	sadd.s32 s4, s6;
	[dreg:$0x0] =	wrdreg $0x0  }
0xa9: {  	s6 =	sshll.u32 s28, $0x1;
	[dreg:$0x2] =	wrdreg s4  }
0xaa: {  	[dreg:$0x3] =	wrdreg s6  }
0xab: {  	[dreg:$0x4] =	wrdreg $0xC0  }
0xac: {  	_ =	task [dreg:s8], $0x5FFFF  }
0xad: {  	[dreg:$0x1] =	wrdreg $0xFFFFFFFF  }
0xae: {  	[dreg:$0x0] =	wrdreg $0x60  }
0xaf: {  	[dreg:$0x2] =	wrdreg s24  }
0xb0: {  	[dreg:$0x3] =	wrdreg s2  }
0xb1: {  	[dreg:$0x4] =	wrdreg s18  }
0xb2: {  	[dreg:$0x5] =	wrdreg $0x9  }
0xb3: {  	_ =	task.clear_ibuf [dreg:s8], $0x6FFFF;
	_ =	strace $0x90000046  }
0xb4: {  	s29 =	simm.s32 $0x9;
	_ =	strace $0x80000048  }
0xb5: {  	_ =	swait.ge [sflag:s29], $0x1  }
0xb6: {  	[sflag:s29] =	ssyncadd.s32 $0xFFFFFFFF  }
0xb7: {  	_ =	strace $0x90000048  }
0xb8: {  	_ =	sfence  }
0xb9: {  	s30 =	sld [smem:$0x0];
	_ =	sdelay $0x2  }
0xba: {  	s31 =	sshll.u32 s1, $0xD;
	s1 =	sshrl.u32 s1, $0x2  }
0xbb: {  	s3 =	sand.u32 $0x4000, s31;
	s1 =	sadd.s32 s1, s30  }
0xbc: {  	s0 =	sor.u32 s3, s0;
	s1 =	sshll.u32 s1, $0x11  }
0xbd: {  	s0 =	sor.u32 s1, s0  }
0xbe: {  	s0 =	sadd.s32 $0x8F2B, s0  }
0xbf: {  	[sflag:s0] =	ssyncadd.remote.s32 $0x1  }
0xc0: {  	_ =	sfence.sel $0xFFFF  }
0xc1: {  	[dreg:$0x0] =	wrdreg $0xFFFFFFFF;
	(pc) =	sbr.abs _section_cstart, $3  }
0xc2: {  	[dreg:$0x1] =	wrdreg $0xFFFFFFFF  }
0xc3: {  	_ =	task.clear_ibuf [dreg:s8], $0x2FFFF;
	_ =	strace $0x9FFFFFFF  }
0xc4: {  	(tm) =	ssettm $0x7FFFFFFF  }
0xc5: {  	_ =	shalt  }
tec
execute0_lowered:
.L_overlay_start_1:
0x0: {  	(tag) =	ssettag $0x1  }
0x1: {  	s0 =	rddreg [dreg:$0x0]  }
0x2: {  	s2 =	rddreg [dreg:$0x1]  }
0x3: {  	s3 =	rddreg [dreg:$0x2]  }
0x4: {  	s1 =	srdreg.scid;
	s4 =	stileid.u32  }
0x5: {  	s10 =	simm.s32 $0x9;
	s12 =	simm.s32 $0xC800;
	s13 =	simm.s32 $0x7  }
0x6: {  	s14 =	simm.s32 $0x8;
	s15 =	simm.s32 $0x0;
	s1 =	sand.u32 $0x1, s1  }
0x7: {  	s5 =	sshll.u32 s4, $0x1;
	s4 =	simm.s32 $0x0;
	s8 =	sadd.s32 $0x200, s2  }
0x8: {  	s5 =	sor.u32 s1, s5;
	s1 =	ssub.s32 $0x2, s1;
	[smem:$0x7FF] =	sst s4  }
0x9: {  	v2 =	vlaneseq.u32;
	s6 =	sshll.u32 s5, $0x9;
	s7 =	sshrl.u32 s1, $0x1;
	_ =	strace $0x80000047  }
0xa: {  	vm0 =	vmmov $0xffff;
	v1 =	vshrl.u32 v2, $0x3;
	s5 =	sshll.u32 s5, $0x7;
	s0 =	sadd.s32 s6, s0;
	s1 =	ssub.s32 s1, s7  }
0xb: {  	v0 =	vand.u32 $0x7, v2;
	v2 =	vor.u32 $0x8, v2;
	v1 =	vmul.u32 $0x8, v1;
	s7 =	sadd.s32 $0x100, s2;
	s6 =	sadd.s32 $0x400, s0;
	s9 =	smax.u32 s1, $0x1  }
.LBB2_1:
0xc: {  	[tilespmem:s4], [sflag:$0x9] =	stream.linear.gather [hbm4b:s6+s4], $0x1000, $0x38;
	[tilespmem:$0x19000] =	vst v63  }
0xd: {  	_ =	swait.ge [sflag:s10], $0x1000  }
0xe: {  	[sflag:s10] =	ssyncset.done $0x0  }
0xf: {  	[sflag:s10] =	ssyncadd.s32 $0xFFFFF000  }
0x10: {  	v3 =	vld [tilespmem:$0x0];
	_ =	sdelay $0x4  }
0x11: {  	v4 =	vshrl.u32 v3, $0x3  }
0x12: {  	v4 =	vmul.u32 $0x30, v4  }
0x13: {  	v3 =	vand.u32 $0x7, v3  }
0x14: {  	v3 =	vor.u32 v3, v4  }
0x15: {  	v4 =	vperm.xlane v3, v0;
	_ =	sdelay $0x1  }
0x16: {  	v4 =	vadd.s32 v1, v4;
	_ =	sdelay $0x3  }
0x17: {  	s0 =	simm.s32 $0x1000;
	v3 =	vperm.xlane v3, v2  }
0x18: {  	[tilespmem:s0], [sflag:$0x1] =	stream.indirect_vreg.gather [hbm4b:s2+s4], $0x80, v4, vm0, $0xb8;
	[tilespmem:$0x19000] =	vst v63  }
0x19: {  	s26 =	simm.s32 $0x1800;
	v3 =	vadd.s32 v1, v3  }
0x1a: {  	[tilespmem:s26], [sflag:$0x1] =	stream.indirect_vreg.gather [hbm4b:s7+s4], $0x80, v4, vm0, $0xb8;
	[tilespmem:$0x19000] =	vst v63  }
0x1b: {  	s28 =	simm.s32 $0x2000  }
0x1c: {  	[tilespmem:s28], [sflag:$0x1] =	stream.indirect_vreg.gather [hbm4b:s8+s4], $0x80, v4, vm0, $0xb8;
	[tilespmem:$0x19000] =	vst v63  }
0x1d: {  	s29 =	simm.s32 $0x2800  }
0x1e: {  	[tilespmem:s29], [sflag:$0x1] =	stream.indirect_vreg.gather [hbm4b:s2+s4], $0x80, v3, vm0, $0xb8;
	[tilespmem:$0x19000] =	vst v63  }
0x1f: {  	s30 =	simm.s32 $0x3000  }
0x20: {  	[tilespmem:s30], [sflag:$0x1] =	stream.indirect_vreg.gather [hbm4b:s7+s4], $0x80, v3, vm0, $0xb8;
	[tilespmem:$0x19000] =	vst v63  }
0x21: {  	s31 =	simm.s32 $0x3800  }
0x22: {  	[tilespmem:s31], [sflag:$0x1] =	stream.indirect_vreg.gather [hbm4b:s8+s4], $0x80, v3, vm0, $0xb8;
	[tilespmem:$0x19000] =	vst v63  }
0x23: {  	v3 =	vld [tilespmem:$0x10];
	_ =	sdelay $0x4  }
0x24: {  	v61 =	vshrl.u32 v3, $0x3  }
0x25: {  	v4 =	vmul.u32 $0x30, v61  }
0x26: {  	v3 =	vand.u32 $0x7, v3  }
0x27: {  	v3 =	vor.u32 v3, v4  }
0x28: {  	v4 =	vperm.xlane v3, v0;
	_ =	sdelay $0x1  }
0x29: {  	v4 =	vadd.s32 v1, v4;
	_ =	sdelay $0x3  }
0x2a: {  	s1 =	simm.s32 $0x4000;
	v3 =	vperm.xlane v3, v2  }
0x2b: {  	[tilespmem:s1], [sflag:$0x1] =	stream.indirect_vreg.gather [hbm4b:s2+s4], $0x80, v4, vm0, $0xb8;
	[tilespmem:$0x19000] =	vst v63  }
0x2c: {  	s11 =	simm.s32 $0x4800;
	v3 =	vadd.s32 v1, v3  }
0x2d: {  	[tilespmem:s11], [sflag:$0x1] =	stream.indirect_vreg.gather [hbm4b:s7+s4], $0x80, v4, vm0, $0xb8;
	[tilespmem:$0x19000] =	vst v63  }
0x2e: {  	s16 =	simm.s32 $0x5000  }
0x2f: {  	[tilespmem:s16], [sflag:$0x1] =	stream.indirect_vreg.gather [hbm4b:s8+s4], $0x80, v4, vm0, $0xb8;
	[tilespmem:$0x19000] =	vst v63  }
0x30: {  	s17 =	simm.s32 $0x5800  }
0x31: {  	[tilespmem:s17], [sflag:$0x1] =	stream.indirect_vreg.gather [hbm4b:s2+s4], $0x80, v3, vm0, $0xb8;
	[tilespmem:$0x19000] =	vst v63  }
0x32: {  	s18 =	simm.s32 $0x6000  }
0x33: {  	[tilespmem:s18], [sflag:$0x1] =	stream.indirect_vreg.gather [hbm4b:s7+s4], $0x80, v3, vm0, $0xb8;
	[tilespmem:$0x19000] =	vst v63  }
0x34: {  	s19 =	simm.s32 $0x6800  }
0x35: {  	[tilespmem:s19], [sflag:$0x1] =	stream.indirect_vreg.gather [hbm4b:s8+s4], $0x80, v3, vm0, $0xb8;
	[tilespmem:$0x19000] =	vst v63  }
0x36: {  	v3 =	vld [tilespmem:$0x80];
	_ =	sdelay $0x4  }
0x37: {  	v62 =	vshrl.u32 v3, $0x3  }
0x38: {  	v4 =	vmul.u32 $0x30, v62  }
0x39: {  	v3 =	vand.u32 $0x7, v3  }
0x3a: {  	v3 =	vor.u32 v3, v4  }
0x3b: {  	v4 =	vperm.xlane v3, v0;
	_ =	sdelay $0x1  }
0x3c: {  	v4 =	vadd.s32 v1, v4;
	_ =	sdelay $0x3  }
0x3d: {  	s20 =	simm.s32 $0x7000;
	v3 =	vperm.xlane v3, v2  }
0x3e: {  	[tilespmem:s20], [sflag:$0x2] =	stream.indirect_vreg.gather [hbm4b:s2+s4], $0x80, v4, vm0, $0xb8;
	[tilespmem:$0x19000] =	vst v63  }
0x3f: {  	s21 =	simm.s32 $0x7800;
	v3 =	vadd.s32 v1, v3  }
0x40: {  	[tilespmem:s21], [sflag:$0x2] =	stream.indirect_vreg.gather [hbm4b:s7+s4], $0x80, v4, vm0, $0xb8;
	[tilespmem:$0x19000] =	vst v63  }
0x41: {  	s22 =	simm.s32 $0x8000  }
0x42: {  	[tilespmem:s22], [sflag:$0x2] =	stream.indirect_vreg.gather [hbm4b:s8+s4], $0x80, v4, vm0, $0xb8;
	[tilespmem:$0x19000] =	vst v63  }
0x43: {  	s23 =	simm.s32 $0x8800  }
0x44: {  	[tilespmem:s23], [sflag:$0x2] =	stream.indirect_vreg.gather [hbm4b:s2+s4], $0x80, v3, vm0, $0xb8;
	[tilespmem:$0x19000] =	vst v63  }
0x45: {  	s24 =	simm.s32 $0x9000  }
0x46: {  	[tilespmem:s24], [sflag:$0x2] =	stream.indirect_vreg.gather [hbm4b:s7+s4], $0x80, v3, vm0, $0xb8;
	[tilespmem:$0x19000] =	vst v63  }
0x47: {  	s25 =	simm.s32 $0x9800  }
0x48: {  	[tilespmem:s25], [sflag:$0x2] =	stream.indirect_vreg.gather [hbm4b:s8+s4], $0x80, v3, vm0, $0xb8;
	[tilespmem:$0x19000] =	vst v63  }
0x49: {  	v3 =	vld [tilespmem:$0x90];
	_ =	sdelay $0x4  }
0x4a: {  	v63 =	vshrl.u32 v3, $0x3  }
0x4b: {  	v4 =	vmul.u32 $0x30, v63  }
0x4c: {  	v3 =	vand.u32 $0x7, v3  }
0x4d: {  	v3 =	vor.u32 v3, v4  }
0x4e: {  	v4 =	vperm.xlane v3, v0;
	_ =	sdelay $0x1  }
0x4f: {  	v4 =	vadd.s32 v1, v4;
	_ =	sdelay $0x3  }
0x50: {  	s26 =	simm.s32 $0xA000;
	v3 =	vperm.xlane v3, v2  }
0x51: {  	[tilespmem:s26], [sflag:$0x2] =	stream.indirect_vreg.gather [hbm4b:s2+s4], $0x80, v4, vm0, $0xb8;
	[tilespmem:$0x19000] =	vst v63  }
0x52: {  	s28 =	simm.s32 $0xA800;
	v3 =	vadd.s32 v1, v3  }
0x53: {  	[tilespmem:s28], [sflag:$0x2] =	stream.indirect_vreg.gather [hbm4b:s7+s4], $0x80, v4, vm0, $0xb8;
	[tilespmem:$0x19000] =	vst v63  }
0x54: {  	s29 =	simm.s32 $0xB000  }
0x55: {  	[tilespmem:s29], [sflag:$0x2] =	stream.indirect_vreg.gather [hbm4b:s8+s4], $0x80, v4, vm0, $0xb8;
	[tilespmem:$0x19000] =	vst v63  }
0x56: {  	s30 =	simm.s32 $0xB800  }
0x57: {  	[tilespmem:s30], [sflag:$0x2] =	stream.indirect_vreg.gather [hbm4b:s2+s4], $0x80, v3, vm0, $0xb8;
	[tilespmem:$0x19000] =	vst v63  }
0x58: {  	s31 =	simm.s32 $0xC000  }
0x59: {  	[tilespmem:s31], [sflag:$0x2] =	stream.indirect_vreg.gather [hbm4b:s7+s4], $0x80, v3, vm0, $0xb8;
	[tilespmem:$0x19000] =	vst v63  }
0x5a: {  	s16 =	simm.s32 $0x0;
	s17 =	simm.s32 $0x0  }
0x5b: {  	[tilespmem:s12], [sflag:$0x2] =	stream.indirect_vreg.gather [hbm4b:s8+s4], $0x80, v3, vm0, $0xb8;
	[tilespmem:$0x19000] =	vst v63  }
.LBB2_2:
0x5c: {  	p0 =	slt.u32 s17, $0x2  }
0x5d: {  	p1 =	sgt.u32 @!p0 s17, $0x1D  }
0x5e: {  	s18 =	sadd.s32 $0x2, s17;
	p1 =	por p0, !p1  }
.Ltmp0:
0x5f: {  	s0 =	sand.u32 $0x3, s18;
	(pc) =	sbr.rel @!p1 .LBB2_4-.Ltmp0, $4  }
0x60: {  	s19 =	sadd.s32 @!p0 $0x5, s0  }
0x61: {  	_ =	swait.ge @!p0 [sflag:s19], $0x6000  }
0x62: {  	[sflag:s19] =	ssyncset.done @!p0 $0x0  }
0x63: {  	[sflag:s19] =	ssyncadd.s32 @!p0 $0xFFFFA000  }
0x64: {  	s18 =	sshll.u32 s18, $0x7  }
0x65: {  	s18 =	sand.u32 $0x3FFFFF80, s18  }
0x66: {  	v3 =	vld [tilespmem:s18+$0x0];
	_ =	sdelay $0x4  }
0x67: {  	v4 =	vshrl.u32 v3, $0x3  }
0x68: {  	v4 =	vmul.u32 $0x30, v4  }
0x69: {  	v3 =	vand.u32 $0x7, v3  }
0x6a: {  	v3 =	vor.u32 v3, v4  }
0x6b: {  	v4 =	vperm.xlane v3, v0;
	_ =	sdelay $0x1  }
0x6c: {  	v4 =	vadd.s32 v1, v4  }
0x6d: {  	s19 =	smul.u32 $0x18000, s0;
	_ =	sdelay $0x1  }
0x6e: {  	s19 =	sshrl.u32 s19, $0x2  }
0x6f: {  	s1 =	sadd.s32 $0x1, s0;
	s20 =	sor.u32 $0x1000, s19;
	v3 =	vperm.xlane v3, v2  }
0x70: {  	[tilespmem:s20], [sflag:s1] =	stream.indirect_vreg.gather [hbm4b:s2+s4], $0x80, v4, vm0, $0xb8;
	[tilespmem:$0x19000] =	vst v63  }
0x71: {  	s11 =	sor.u32 $0x1800, s19;
	v3 =	vadd.s32 v1, v3  }
0x72: {  	[tilespmem:s11], [sflag:s1] =	stream.indirect_vreg.gather [hbm4b:s7+s4], $0x80, v4, vm0, $0xb8;
	[tilespmem:$0x19000] =	vst v63  }
0x73: {  	s21 =	sadd.s32 $0x2000, s19  }
0x74: {  	[tilespmem:s21], [sflag:s1] =	stream.indirect_vreg.gather [hbm4b:s8+s4], $0x80, v4, vm0, $0xb8;
	[tilespmem:$0x19000] =	vst v63  }
0x75: {  	s22 =	sadd.s32 $0x2800, s19  }
0x76: {  	[tilespmem:s22], [sflag:s1] =	stream.indirect_vreg.gather [hbm4b:s2+s4], $0x80, v3, vm0, $0xb8;
	[tilespmem:$0x19000] =	vst v63  }
0x77: {  	s23 =	sadd.s32 $0x3000, s19  }
0x78: {  	[tilespmem:s23], [sflag:s1] =	stream.indirect_vreg.gather [hbm4b:s7+s4], $0x80, v3, vm0, $0xb8;
	[tilespmem:$0x19000] =	vst v63  }
0x79: {  	s24 =	sadd.s32 $0x3800, s19  }
0x7a: {  	[tilespmem:s24], [sflag:s1] =	stream.indirect_vreg.gather [hbm4b:s8+s4], $0x80, v3, vm0, $0xb8;
	[tilespmem:$0x19000] =	vst v63  }
0x7b: {  	v3 =	vld [tilespmem:s18+$0x10];
	_ =	sdelay $0x4  }
0x7c: {  	v63 =	vshrl.u32 v3, $0x3  }
0x7d: {  	v4 =	vmul.u32 $0x30, v63  }
0x7e: {  	v3 =	vand.u32 $0x7, v3  }
0x7f: {  	v3 =	vor.u32 v3, v4  }
0x80: {  	v4 =	vperm.xlane v3, v0;
	_ =	sdelay $0x1  }
0x81: {  	v4 =	vadd.s32 v1, v4;
	_ =	sdelay $0x3  }
0x82: {  	s25 =	sadd.s32 $0x4000, s19;
	v3 =	vperm.xlane v3, v2  }
0x83: {  	[tilespmem:s25], [sflag:s1] =	stream.indirect_vreg.gather [hbm4b:s2+s4], $0x80, v4, vm0, $0xb8;
	[tilespmem:$0x19000] =	vst v63  }
0x84: {  	s26 =	sadd.s32 $0x4800, s19;
	v3 =	vadd.s32 v1, v3  }
0x85: {  	[tilespmem:s26], [sflag:s1] =	stream.indirect_vreg.gather [hbm4b:s7+s4], $0x80, v4, vm0, $0xb8;
	[tilespmem:$0x19000] =	vst v63  }
0x86: {  	s28 =	sadd.s32 $0x5000, s19  }
0x87: {  	[tilespmem:s28], [sflag:s1] =	stream.indirect_vreg.gather [hbm4b:s8+s4], $0x80, v4, vm0, $0xb8;
	[tilespmem:$0x19000] =	vst v63  }
0x88: {  	s29 =	sadd.s32 $0x5800, s19  }
0x89: {  	[tilespmem:s29], [sflag:s1] =	stream.indirect_vreg.gather [hbm4b:s2+s4], $0x80, v3, vm0, $0xb8;
	[tilespmem:$0x19000] =	vst v63  }
0x8a: {  	s30 =	sadd.s32 $0x6000, s19  }
0x8b: {  	[tilespmem:s30], [sflag:s1] =	stream.indirect_vreg.gather [hbm4b:s7+s4], $0x80, v3, vm0, $0xb8;
	[tilespmem:$0x19000] =	vst v63  }
0x8c: {  	s31 =	sadd.s32 $0x6800, s19  }
0x8d: {  	[tilespmem:s31], [sflag:s1] =	stream.indirect_vreg.gather [hbm4b:s8+s4], $0x80, v3, vm0, $0xb8;
	[tilespmem:$0x19000] =	vst v63  }
.LBB2_4:
0x8e: {  	s0 =	sand.u32 $0x3, s16  }
0x8f: {  	s19 =	sshll.u32 s0, $0x5  }
0x90: {  	s0 =	sadd.s32 $0x0, s19  }
0x91: {  	s0 =	sshrl.u32 s0, $0x3  }
0x92: {  	s18 =	sand.u32 $0x3, s17;
	s0 =	smul.u32 $0x6000, s0  }
0x93: {  	s20 =	simm.s32 $0x0;
	s23 =	sadd.s32 $0x1, s18  }
0x94: {  	s21 =	sand.u32 $0x300, s20;
	_ =	swait.ge [sflag:s23], $0x6000;
	s22 =	sshra.s32 s0, $0x2  }
0x95: {  	s20 =	sor.u32 $0x80, s21;
	[sflag:s23] =	ssyncset.done $0x0;
	s0 =	sadd.s32 $0x1000, s22  }
0x96: {  	[sflag:s23] =	ssyncadd.s32 $0xFFFFA000;
	s24 =	sor.u32 s20, s0  }
0x97: {  	v3 =	vld [tilespmem:s24+$0x0]  }
0x98: {  	v4 =	vld [tilespmem:s24+$0x10]  }
0x99: {  	v5 =	vld [tilespmem:s24+$0x20]  }
0x9a: {  	v6 =	vld [tilespmem:s24+$0x30]  }
0x9b: {  	v7 =	vld [tilespmem:s24+$0x40]  }
0x9c: {  	v8 =	vld [tilespmem:s24+$0x50];
	v3 =	vmul.f32 $2.771281240e+01, v3  }
0x9d: {  	v9 =	vld [tilespmem:s24+$0x60];
	v4 =	vmul.f32 $2.771281240e+01, v4  }
0x9e: {  	[tilespmem:s24+$0x0] =	vst v3;
	v3 =	vmul.f32 $2.771281240e+01, v5;
	v5 =	vld [tilespmem:s24+$0x70]  }
0x9f: {  	[tilespmem:s24+$0x10] =	vst v4;
	v4 =	vmul.f32 $2.771281240e+01, v6;
	v6 =	vld [tilespmem:s24+$0x400]  }
0xa0: {  	[tilespmem:s24+$0x20] =	vst v3;
	v3 =	vmul.f32 $2.771281240e+01, v7;
	v7 =	vld [tilespmem:s24+$0x410]  }
0xa1: {  	[tilespmem:s24+$0x30] =	vst v4;
	v4 =	vmul.f32 $2.771281240e+01, v8;
	v8 =	vld [tilespmem:s24+$0x420]  }
0xa2: {  	[tilespmem:s24+$0x40] =	vst v3;
	v3 =	vmul.f32 $2.771281240e+01, v9;
	v9 =	vld [tilespmem:s24+$0x430]  }
0xa3: {  	[tilespmem:s24+$0x50] =	vst v4;
	v4 =	vmul.f32 $2.771281240e+01, v5;
	v5 =	vld [tilespmem:s24+$0x440]  }
0xa4: {  	[tilespmem:s24+$0x60] =	vst v3;
	v3 =	vmul.f32 $2.771281240e+01, v6;
	v6 =	vld [tilespmem:s24+$0x450]  }
0xa5: {  	[tilespmem:s24+$0x70] =	vst v4;
	v4 =	vmul.f32 $2.771281240e+01, v7;
	v7 =	vld [tilespmem:s24+$0x460]  }
0xa6: {  	s1 =	sor.u32 s21, s0;
	[tilespmem:s24+$0x400] =	vst v3;
	v3 =	vmul.f32 $2.771281240e+01, v8;
	v8 =	vld [tilespmem:s24+$0x470]  }
0xa7: {  	v10 =	vld [tilespmem:s1+$0x0];
	[tilespmem:s24+$0x410] =	vst v4;
	v4 =	vmul.f32 $2.771281240e+01, v9  }
0xa8: {  	v9 =	vld [tilespmem:s1+$0x10];
	[tilespmem:s24+$0x420] =	vst v3;
	v3 =	vmul.f32 $2.771281240e+01, v5  }
0xa9: {  	v5 =	vld [tilespmem:s1+$0x20];
	[tilespmem:s24+$0x430] =	vst v4;
	v4 =	vmul.f32 $2.771281240e+01, v6  }
0xaa: {  	v6 =	vld [tilespmem:s1+$0x30];
	[tilespmem:s24+$0x440] =	vst v3;
	v3 =	vmul.f32 $2.771281240e+01, v7  }
0xab: {  	v7 =	vld [tilespmem:s1+$0x40];
	[tilespmem:s24+$0x450] =	vst v4;
	v4 =	vmul.f32 $2.771281240e+01, v8  }
0xac: {  	s11 =	sadd.s32 $0x1800, s22;
	v8 =	vmul.f32 $2.771281240e+01, v10;
	v10 =	vld [tilespmem:s1+$0x50];
	[tilespmem:s24+$0x460] =	vst v3  }
0xad: {  	s25 =	sor.u32 s20, s11;
	v3 =	vmul.f32 $2.771281240e+01, v9;
	v9 =	vld [tilespmem:s1+$0x60];
	[tilespmem:s24+$0x470] =	vst v4  }
0xae: {  	[tilespmem:s1+$0x0] =	vst v8;
	v4 =	vmul.f32 $2.771281240e+01, v5;
	v5 =	vld [tilespmem:s25+$0x0]  }
0xaf: {  	[tilespmem:s1+$0x10] =	vst v3;
	v3 =	vmul.f32 $2.771281240e+01, v6;
	v6 =	vld [tilespmem:s25+$0x10]  }
0xb0: {  	[tilespmem:s1+$0x20] =	vst v4;
	v4 =	vmul.f32 $2.771281240e+01, v7;
	v7 =	vld [tilespmem:s25+$0x20]  }
0xb1: {  	v8 =	vld [tilespmem:s25+$0x30];
	[tilespmem:s1+$0x30] =	vst v3;
	v3 =	vmul.f32 $2.771281240e+01, v10  }
0xb2: {  	[tilespmem:s1+$0x40] =	vst v4;
	v4 =	vmul.f32 $2.771281240e+01, v9;
	v9 =	vld [tilespmem:s25+$0x40]  }
0xb3: {  	[tilespmem:s1+$0x50] =	vst v3;
	v3 =	vmul.f32 $2.771281240e+01, v5;
	v5 =	vld [tilespmem:s25+$0x50]  }
0xb4: {  	[tilespmem:s1+$0x60] =	vst v4;
	v4 =	vmul.f32 $2.771281240e+01, v6;
	v6 =	vld [tilespmem:s25+$0x60]  }
0xb5: {  	[tilespmem:s25+$0x0] =	vst v3;
	v3 =	vmul.f32 $2.771281240e+01, v7;
	v7 =	vld [tilespmem:s25+$0x70]  }
0xb6: {  	v10 =	vld [tilespmem:s1+$0x70];
	[tilespmem:s25+$0x10] =	vst v4;
	v4 =	vmul.f32 $2.771281240e+01, v8  }
0xb7: {  	v8 =	vld [tilespmem:s1+$0x400];
	[tilespmem:s25+$0x20] =	vst v3;
	v3 =	vmul.f32 $2.771281240e+01, v9  }
0xb8: {  	v9 =	vld [tilespmem:s1+$0x410];
	[tilespmem:s25+$0x30] =	vst v4;
	v4 =	vmul.f32 $2.771281240e+01, v5  }
0xb9: {  	v5 =	vld [tilespmem:s1+$0x420];
	[tilespmem:s25+$0x40] =	vst v3;
	v3 =	vmul.f32 $2.771281240e+01, v6  }
0xba: {  	v6 =	vld [tilespmem:s1+$0x430];
	[tilespmem:s25+$0x50] =	vst v4;
	v4 =	vmul.f32 $2.771281240e+01, v7  }
0xbb: {  	s28 =	sadd.s32 $0x1C00, s22;
	v7 =	vmul.f32 $2.771281240e+01, v10;
	v10 =	vld [tilespmem:s1+$0x440];
	[tilespmem:s25+$0x60] =	vst v3  }
0xbc: {  	s26 =	sor.u32 s20, s28;
	v3 =	vmul.f32 $2.771281240e+01, v8;
	v8 =	vld [tilespmem:s1+$0x450];
	[tilespmem:s25+$0x70] =	vst v4  }
0xbd: {  	[tilespmem:s1+$0x70] =	vst v7;
	v4 =	vmul.f32 $2.771281240e+01, v9;
	v7 =	vld [tilespmem:s26+$0x0]  }
0xbe: {  	[tilespmem:s1+$0x400] =	vst v3;
	v3 =	vmul.f32 $2.771281240e+01, v5;
	v5 =	vld [tilespmem:s26+$0x10]  }
0xbf: {  	[tilespmem:s1+$0x410] =	vst v4;
	v4 =	vmul.f32 $2.771281240e+01, v6;
	v6 =	vld [tilespmem:s26+$0x20]  }
0xc0: {  	v9 =	vld [tilespmem:s26+$0x30];
	[tilespmem:s1+$0x420] =	vst v3;
	v3 =	vmul.f32 $2.771281240e+01, v10  }
0xc1: {  	[tilespmem:s1+$0x430] =	vst v4;
	v4 =	vmul.f32 $2.771281240e+01, v8;
	v8 =	vld [tilespmem:s26+$0x40]  }
0xc2: {  	[tilespmem:s1+$0x440] =	vst v3;
	v3 =	vmul.f32 $2.771281240e+01, v7;
	v7 =	vld [tilespmem:s26+$0x50]  }
0xc3: {  	[tilespmem:s1+$0x450] =	vst v4;
	v4 =	vmul.f32 $2.771281240e+01, v5;
	v5 =	vld [tilespmem:s26+$0x60]  }
0xc4: {  	v10 =	vld [tilespmem:s1+$0x460];
	[tilespmem:s26+$0x0] =	vst v3;
	v3 =	vmul.f32 $2.771281240e+01, v6  }
0xc5: {  	v6 =	vld [tilespmem:s26+$0x70];
	[tilespmem:s26+$0x10] =	vst v4;
	v4 =	vmul.f32 $2.771281240e+01, v9  }
0xc6: {  	v9 =	vld [tilespmem:s1+$0x470];
	[tilespmem:s26+$0x20] =	vst v3;
	v3 =	vmul.f32 $2.771281240e+01, v8  }
0xc7: {  	[tilespmem:s26+$0x30] =	vst v4;
	v4 =	vmul.f32 $2.771281240e+01, v7  }
0xc8: {  	[tilespmem:s26+$0x40] =	vst v3;
	v3 =	vmul.f32 $2.771281240e+01, v5  }
0xc9: {  	v5 =	vmul.f32 $2.771281240e+01, v10;
	[tilespmem:s26+$0x50] =	vst v4  }
0xca: {  	v4 =	vmul.f32 $2.771281240e+01, v6;
	[tilespmem:s26+$0x60] =	vst v3  }
0xcb: {  	s30 =	sadd.s32 $0x2000, s22;
	v3 =	vmul.f32 $2.771281240e+01, v9;
	[tilespmem:s1+$0x460] =	vst v5  }
0xcc: {  	s31 =	sor.u32 s20, s30;
	[tilespmem:s26+$0x70] =	vst v4  }
0xcd: {  	s0 =	sor.u32 s21, s11;
	v4 =	vld [tilespmem:s31+$0x0];
	[tilespmem:s1+$0x470] =	vst v3  }
0xce: {  	v3 =	vld [tilespmem:s0+$0x0]  }
0xcf: {  	v5 =	vld [tilespmem:s0+$0x10]  }
0xd0: {  	v6 =	vld [tilespmem:s0+$0x20]  }
0xd1: {  	v7 =	vld [tilespmem:s0+$0x30]  }
0xd2: {  	v8 =	vld [tilespmem:s0+$0x40];
	v4 =	vmul.f32 $2.771281240e+01, v4  }
0xd3: {  	v9 =	vld [tilespmem:s0+$0x50];
	v3 =	vmul.f32 $2.771281240e+01, v3  }
0xd4: {  	[tilespmem:s31+$0x0] =	vst v4;
	v4 =	vmul.f32 $2.771281240e+01, v5;
	v5 =	vld [tilespmem:s0+$0x60]  }
0xd5: {  	[tilespmem:s0+$0x0] =	vst v3;
	v3 =	vmul.f32 $2.771281240e+01, v6;
	v6 =	vld [tilespmem:s0+$0x70]  }
0xd6: {  	v10 =	vld [tilespmem:s31+$0x10];
	[tilespmem:s0+$0x10] =	vst v4;
	v4 =	vmul.f32 $2.771281240e+01, v7  }
0xd7: {  	v7 =	vld [tilespmem:s31+$0x20];
	[tilespmem:s0+$0x20] =	vst v3;
	v3 =	vmul.f32 $2.771281240e+01, v8  }
0xd8: {  	v8 =	vld [tilespmem:s31+$0x30];
	[tilespmem:s0+$0x30] =	vst v4;
	v4 =	vmul.f32 $2.771281240e+01, v9  }
0xd9: {  	v9 =	vld [tilespmem:s31+$0x40];
	[tilespmem:s0+$0x40] =	vst v3;
	v3 =	vmul.f32 $2.771281240e+01, v5  }
0xda: {  	v5 =	vld [tilespmem:s31+$0x50];
	[tilespmem:s0+$0x50] =	vst v4;
	v4 =	vmul.f32 $2.771281240e+01, v6  }
0xdb: {  	v6 =	vmul.f32 $2.771281240e+01, v10;
	v10 =	vld [tilespmem:s31+$0x60];
	[tilespmem:s0+$0x60] =	vst v3  }
0xdc: {  	s29 =	sor.u32 s21, s28;
	v3 =	vmul.f32 $2.771281240e+01, v7;
	v7 =	vld [tilespmem:s31+$0x70];
	[tilespmem:s0+$0x70] =	vst v4  }
0xdd: {  	[tilespmem:s31+$0x10] =	vst v6;
	v4 =	vmul.f32 $2.771281240e+01, v8;
	v6 =	vld [tilespmem:s29+$0x0]  }
0xde: {  	[tilespmem:s31+$0x20] =	vst v3;
	v3 =	vmul.f32 $2.771281240e+01, v9;
	v8 =	vld [tilespmem:s29+$0x10]  }
0xdf: {  	[tilespmem:s31+$0x30] =	vst v4;
	v4 =	vmul.f32 $2.771281240e+01, v5;
	v5 =	vld [tilespmem:s29+$0x20]  }
0xe0: {  	v9 =	vld [tilespmem:s29+$0x30];
	[tilespmem:s31+$0x40] =	vst v3;
	v3 =	vmul.f32 $2.771281240e+01, v10  }
0xe1: {  	[tilespmem:s31+$0x50] =	vst v4;
	v4 =	vmul.f32 $2.771281240e+01, v7;
	v7 =	vld [tilespmem:s29+$0x40]  }
0xe2: {  	[tilespmem:s31+$0x60] =	vst v3;
	v3 =	vmul.f32 $2.771281240e+01, v6;
	v6 =	vld [tilespmem:s29+$0x50]  }
0xe3: {  	s23 =	sadd.s32 $0x2400, s22;
	[tilespmem:s31+$0x70] =	vst v4;
	v4 =	vmul.f32 $2.771281240e+01, v8;
	v8 =	vld [tilespmem:s29+$0x60]  }
0xe4: {  	s24 =	sor.u32 s20, s23;
	[tilespmem:s29+$0x0] =	vst v3;
	v3 =	vmul.f32 $2.771281240e+01, v5;
	v5 =	vld [tilespmem:s29+$0x70]  }
0xe5: {  	v10 =	vld [tilespmem:s24+$0x70];
	[tilespmem:s29+$0x10] =	vst v4;
	v4 =	vmul.f32 $2.771281240e+01, v9  }
0xe6: {  	[tilespmem:s29+$0x20] =	vst v3;
	v3 =	vmul.f32 $2.771281240e+01, v7;
	v7 =	vld [tilespmem:s24+$0x0]  }
0xe7: {  	[tilespmem:s29+$0x30] =	vst v4;
	v4 =	vmul.f32 $2.771281240e+01, v6;
	v6 =	vld [tilespmem:s24+$0x10]  }
0xe8: {  	[tilespmem:s29+$0x40] =	vst v3;
	v3 =	vmul.f32 $2.771281240e+01, v8;
	v8 =	vld [tilespmem:s24+$0x20]  }
0xe9: {  	s1 =	sadd.s32 $0x2, s19;
	[tilespmem:s29+$0x50] =	vst v4;
	v4 =	vmul.f32 $2.771281240e+01, v5;
	v5 =	vld [tilespmem:s24+$0x30]  }
0xea: {  	s0 =	sshrl.u32 s1, $0x3;
	v9 =	vmul.f32 $2.771281240e+01, v10;
	[tilespmem:s29+$0x60] =	vst v3;
	v3 =	vld [tilespmem:s24+$0x40]  }
0xeb: {  	s28 =	sor.u32 s21, s30;
	s0 =	smul.u32 $0x6000, s0;
	[tilespmem:s29+$0x70] =	vst v4;
	v4 =	vld [tilespmem:s24+$0x50];
	v7 =	vmul.f32 $2.771281240e+01, v7  }
0xec: {  	s20 =	simm.s32 $0x100;
	[tilespmem:s24+$0x70] =	vst v9;
	v10 =	vld [tilespmem:s28+$0x0];
	v6 =	vmul.f32 $2.771281240e+01, v6  }
0xed: {  	s25 =	sand.u32 $0x300, s20;
	s11 =	sshra.s32 s0, $0x2;
	v9 =	vld [tilespmem:s28+$0x10];
	[tilespmem:s24+$0x0] =	vst v7;
	v7 =	vmul.f32 $2.771281240e+01, v8  }
0xee: {  	s26 =	sor.u32 $0x80, s25;
	s29 =	sadd.s32 $0x1000, s11;
	v8 =	vld [tilespmem:s28+$0x20];
	[tilespmem:s24+$0x10] =	vst v6;
	v5 =	vmul.f32 $2.771281240e+01, v5  }
0xef: {  	s30 =	sor.u32 s26, s29;
	v6 =	vld [tilespmem:s28+$0x30];
	[tilespmem:s24+$0x20] =	vst v7;
	v3 =	vmul.f32 $2.771281240e+01, v3  }
0xf0: {  	v7 =	vld [tilespmem:s30+$0x0];
	[tilespmem:s24+$0x30] =	vst v5;
	v4 =	vmul.f32 $2.771281240e+01, v4  }
0xf1: {  	v5 =	vld [tilespmem:s30+$0x10];
	v10 =	vmul.f32 $2.771281240e+01, v10;
	[tilespmem:s24+$0x40] =	vst v3  }
0xf2: {  	v3 =	vld [tilespmem:s30+$0x20];
	v9 =	vmul.f32 $2.771281240e+01, v9;
	[tilespmem:s24+$0x50] =	vst v4  }
0xf3: {  	v4 =	vld [tilespmem:s30+$0x30];
	v8 =	vmul.f32 $2.771281240e+01, v8;
	[tilespmem:s28+$0x0] =	vst v10  }
0xf4: {  	v10 =	vld [tilespmem:s30+$0x40];
	[tilespmem:s28+$0x10] =	vst v9;
	v6 =	vmul.f32 $2.771281240e+01, v6  }
0xf5: {  	v9 =	vld [tilespmem:s30+$0x50];
	v7 =	vmul.f32 $2.771281240e+01, v7;
	[tilespmem:s28+$0x20] =	vst v8  }
0xf6: {  	v8 =	vld [tilespmem:s30+$0x60];
	v5 =	vmul.f32 $2.771281240e+01, v5;
	[tilespmem:s28+$0x30] =	vst v6  }
0xf7: {  	[tilespmem:s30+$0x0] =	vst v7;
	v3 =	vmul.f32 $2.771281240e+01, v3;
	v7 =	vld [tilespmem:s30+$0x70]  }
0xf8: {  	[tilespmem:s30+$0x10] =	vst v5;
	v4 =	vmul.f32 $2.771281240e+01, v4;
	v5 =	vld [tilespmem:s30+$0x400]  }
0xf9: {  	[tilespmem:s30+$0x20] =	vst v3;
	v3 =	vmul.f32 $2.771281240e+01, v10;
	v10 =	vld [tilespmem:s30+$0x410]  }
0xfa: {  	[tilespmem:s30+$0x30] =	vst v4;
	v4 =	vmul.f32 $2.771281240e+01, v9;
	v9 =	vld [tilespmem:s30+$0x420]  }
0xfb: {  	[tilespmem:s30+$0x40] =	vst v3;
	v3 =	vmul.f32 $2.771281240e+01, v8;
	v8 =	vld [tilespmem:s30+$0x430]  }
0xfc: {  	[tilespmem:s30+$0x50] =	vst v4;
	v4 =	vmul.f32 $2.771281240e+01, v7;
	v7 =	vld [tilespmem:s30+$0x440]  }
0xfd: {  	[tilespmem:s30+$0x60] =	vst v3;
	v3 =	vmul.f32 $2.771281240e+01, v5;
	v5 =	vld [tilespmem:s30+$0x450]  }
0xfe: {  	[tilespmem:s30+$0x70] =	vst v4;
	v4 =	vmul.f32 $2.771281240e+01, v10;
	v10 =	vld [tilespmem:s30+$0x460]  }
0xff: {  	s29 =	sor.u32 s25, s29;
	[tilespmem:s30+$0x400] =	vst v3;
	v3 =	vmul.f32 $2.771281240e+01, v9;
	v9 =	vld [tilespmem:s30+$0x470]  }
0x100: {  	[tilespmem:s30+$0x410] =	vst v4;
	v4 =	vld [tilespmem:s29+$0x0];
	v8 =	vmul.f32 $2.771281240e+01, v8  }
0x101: {  	[tilespmem:s30+$0x420] =	vst v3;
	v3 =	vld [tilespmem:s29+$0x10];
	v7 =	vmul.f32 $2.771281240e+01, v7  }
0x102: {  	[tilespmem:s30+$0x430] =	vst v8;
	v8 =	vld [tilespmem:s29+$0x20];
	v5 =	vmul.f32 $2.771281240e+01, v5  }
0x103: {  	[tilespmem:s30+$0x440] =	vst v7;
	v7 =	vld [tilespmem:s29+$0x30];
	v10 =	vmul.f32 $2.771281240e+01, v10  }
0x104: {  	[tilespmem:s30+$0x450] =	vst v5;
	v5 =	vld [tilespmem:s29+$0x40];
	v9 =	vmul.f32 $2.771281240e+01, v9  }
0x105: {  	s31 =	sadd.s32 $0x1800, s11;
	[tilespmem:s30+$0x460] =	vst v10;
	v10 =	vld [tilespmem:s29+$0x50];
	v4 =	vmul.f32 $2.771281240e+01, v4  }
0x106: {  	s1 =	sor.u32 s26, s31;
	[tilespmem:s30+$0x470] =	vst v9;
	v9 =	vld [tilespmem:s29+$0x60];
	v3 =	vmul.f32 $2.771281240e+01, v3  }
0x107: {  	v6 =	vld [tilespmem:s1+$0x0];
	[tilespmem:s29+$0x0] =	vst v4;
	v4 =	vmul.f32 $2.771281240e+01, v8  }
0x108: {  	v8 =	vld [tilespmem:s1+$0x10];
	[tilespmem:s29+$0x10] =	vst v3;
	v3 =	vmul.f32 $2.771281240e+01, v7  }
0x109: {  	v7 =	vld [tilespmem:s1+$0x20];
	[tilespmem:s29+$0x20] =	vst v4;
	v4 =	vmul.f32 $2.771281240e+01, v5  }
0x10a: {  	v5 =	vld [tilespmem:s1+$0x30];
	[tilespmem:s29+$0x30] =	vst v3;
	v3 =	vmul.f32 $2.771281240e+01, v10  }
0x10b: {  	v10 =	vld [tilespmem:s1+$0x40];
	[tilespmem:s29+$0x40] =	vst v4;
	v9 =	vmul.f32 $2.771281240e+01, v9  }
0x10c: {  	v4 =	vmul.f32 $2.771281240e+01, v6;
	v6 =	vld [tilespmem:s1+$0x50];
	[tilespmem:s29+$0x50] =	vst v3  }
0x10d: {  	v3 =	vmul.f32 $2.771281240e+01, v8;
	v8 =	vld [tilespmem:s1+$0x60];
	[tilespmem:s29+$0x60] =	vst v9  }
0x10e: {  	[tilespmem:s1+$0x0] =	vst v4;
	v4 =	vmul.f32 $2.771281240e+01, v7;
	v7 =	vld [tilespmem:s1+$0x70]  }
0x10f: {  	[tilespmem:s1+$0x10] =	vst v3;
	v3 =	vld [tilespmem:s29+$0x70];
	v5 =	vmul.f32 $2.771281240e+01, v5  }
0x110: {  	v10 =	vmul.f32 $2.771281240e+01, v10;
	[tilespmem:s1+$0x20] =	vst v4;
	v4 =	vld [tilespmem:s29+$0x400]  }
0x111: {  	[tilespmem:s1+$0x30] =	vst v5;
	v5 =	vld [tilespmem:s29+$0x410];
	v6 =	vmul.f32 $2.771281240e+01, v6  }
0x112: {  	[tilespmem:s1+$0x40] =	vst v10;
	v10 =	vld [tilespmem:s29+$0x420];
	v8 =	vmul.f32 $2.771281240e+01, v8  }
0x113: {  	[tilespmem:s1+$0x50] =	vst v6;
	v6 =	vld [tilespmem:s29+$0x430];
	v7 =	vmul.f32 $2.771281240e+01, v7  }
0x114: {  	s30 =	sadd.s32 $0x1C00, s11;
	[tilespmem:s1+$0x60] =	vst v8;
	v8 =	vld [tilespmem:s29+$0x440];
	v3 =	vmul.f32 $2.771281240e+01, v3  }
0x115: {  	[tilespmem:s1+$0x70] =	vst v7;
	v7 =	vld [tilespmem:s29+$0x450];
	s1 =	sor.u32 s26, s30;
	v4 =	vmul.f32 $2.771281240e+01, v4  }
0x116: {  	[tilespmem:s29+$0x70] =	vst v3;
	v3 =	vmul.f32 $2.771281240e+01, v5;
	v9 =	vld [tilespmem:s1+$0x0]  }
0x117: {  	v5 =	vld [tilespmem:s1+$0x10];
	[tilespmem:s29+$0x400] =	vst v4;
	v4 =	vmul.f32 $2.771281240e+01, v10  }
0x118: {  	v10 =	vld [tilespmem:s1+$0x20];
	[tilespmem:s29+$0x410] =	vst v3;
	v3 =	vmul.f32 $2.771281240e+01, v6  }
0x119: {  	v6 =	vld [tilespmem:s1+$0x30];
	[tilespmem:s29+$0x420] =	vst v4;
	v4 =	vmul.f32 $2.771281240e+01, v8  }
0x11a: {  	v8 =	vld [tilespmem:s1+$0x40];
	[tilespmem:s29+$0x430] =	vst v3;
	v7 =	vmul.f32 $2.771281240e+01, v7  }
0x11b: {  	v3 =	vmul.f32 $2.771281240e+01, v9;
	v9 =	vld [tilespmem:s1+$0x50];
	[tilespmem:s29+$0x440] =	vst v4  }
0x11c: {  	v4 =	vmul.f32 $2.771281240e+01, v5;
	v5 =	vld [tilespmem:s1+$0x60];
	[tilespmem:s29+$0x450] =	vst v7  }
0x11d: {  	[tilespmem:s1+$0x0] =	vst v3;
	v3 =	vmul.f32 $2.771281240e+01, v10;
	v10 =	vld [tilespmem:s1+$0x70]  }
0x11e: {  	[tilespmem:s1+$0x10] =	vst v4;
	v4 =	vld [tilespmem:s29+$0x460];
	v6 =	vmul.f32 $2.771281240e+01, v6  }
0x11f: {  	v8 =	vmul.f32 $2.771281240e+01, v8;
	[tilespmem:s1+$0x20] =	vst v3;
	v3 =	vld [tilespmem:s29+$0x470]  }
0x120: {  	[tilespmem:s1+$0x30] =	vst v6;
	v6 =	vmul.f32 $2.771281240e+01, v9;
	v9 =	vld [tilespmem:s28+$0x40]  }
0x121: {  	[tilespmem:s1+$0x40] =	vst v8;
	v5 =	vmul.f32 $2.771281240e+01, v5;
	v8 =	vld [tilespmem:s28+$0x50]  }
0x122: {  	[tilespmem:s1+$0x50] =	vst v6;
	v6 =	vmul.f32 $2.771281240e+01, v10;
	v10 =	vld [tilespmem:s28+$0x60]  }
0x123: {  	s0 =	sadd.s32 $0x2000, s11;
	[tilespmem:s1+$0x60] =	vst v5;
	v5 =	vld [tilespmem:s28+$0x70];
	v4 =	vmul.f32 $2.771281240e+01, v4  }
0x124: {  	[tilespmem:s1+$0x70] =	vst v6;
	s1 =	sor.u32 s26, s0;
	v6 =	vld [tilespmem:s24+$0x60];
	v3 =	vmul.f32 $2.771281240e+01, v3  }
0x125: {  	[tilespmem:s29+$0x460] =	vst v4;
	v7 =	vld [tilespmem:s1+$0x0];
	v4 =	vmul.f32 $2.771281240e+01, v9  }
0x126: {  	v9 =	vld [tilespmem:s1+$0x10];
	[tilespmem:s29+$0x470] =	vst v3;
	v3 =	vmul.f32 $2.771281240e+01, v8  }
0x127: {  	v8 =	vld [tilespmem:s1+$0x20];
	[tilespmem:s28+$0x40] =	vst v4;
	v4 =	vmul.f32 $2.771281240e+01, v10  }
0x128: {  	v10 =	vld [tilespmem:s1+$0x30];
	[tilespmem:s28+$0x50] =	vst v3;
	v3 =	vmul.f32 $2.771281240e+01, v5  }
0x129: {  	v5 =	vld [tilespmem:s1+$0x40];
	[tilespmem:s28+$0x60] =	vst v4;
	v6 =	vmul.f32 $2.771281240e+01, v6  }
0x12a: {  	v4 =	vmul.f32 $2.771281240e+01, v7;
	v7 =	vld [tilespmem:s1+$0x50];
	[tilespmem:s28+$0x70] =	vst v3  }
0x12b: {  	v3 =	vmul.f32 $2.771281240e+01, v9;
	v9 =	vld [tilespmem:s1+$0x60];
	[tilespmem:s24+$0x60] =	vst v6  }
0x12c: {  	s31 =	sor.u32 s25, s31;
	[tilespmem:s1+$0x0] =	vst v4;
	v4 =	vmul.f32 $2.771281240e+01, v8;
	v8 =	vld [tilespmem:s1+$0x70]  }
0x12d: {  	[tilespmem:s1+$0x10] =	vst v3;
	v3 =	vld [tilespmem:s31+$0x0];
	v10 =	vmul.f32 $2.771281240e+01, v10  }
0x12e: {  	v5 =	vmul.f32 $2.771281240e+01, v5;
	[tilespmem:s1+$0x20] =	vst v4;
	v4 =	vld [tilespmem:s31+$0x10]  }
0x12f: {  	[tilespmem:s1+$0x30] =	vst v10;
	v10 =	vld [tilespmem:s31+$0x20];
	v7 =	vmul.f32 $2.771281240e+01, v7  }
0x130: {  	[tilespmem:s1+$0x40] =	vst v5;
	v5 =	vld [tilespmem:s31+$0x30];
	v9 =	vmul.f32 $2.771281240e+01, v9  }
0x131: {  	[tilespmem:s1+$0x50] =	vst v7;
	v7 =	vld [tilespmem:s31+$0x40];
	v8 =	vmul.f32 $2.771281240e+01, v8  }
0x132: {  	[tilespmem:s1+$0x60] =	vst v9;
	v9 =	vld [tilespmem:s31+$0x50];
	v3 =	vmul.f32 $2.771281240e+01, v3  }
0x133: {  	s11 =	sadd.s32 $0x2400, s11;
	[tilespmem:s1+$0x70] =	vst v8;
	v8 =	vld [tilespmem:s31+$0x60];
	v4 =	vmul.f32 $2.771281240e+01, v4  }
0x134: {  	s22 =	sor.u32 s26, s11;
	[tilespmem:s31+$0x0] =	vst v3;
	v3 =	vmul.f32 $2.771281240e+01, v10;
	v10 =	vld [tilespmem:s31+$0x70]  }
0x135: {  	s21 =	sor.u32 s21, s23;
	v6 =	vld [tilespmem:s22+$0x70];
	[tilespmem:s31+$0x10] =	vst v4;
	v4 =	vmul.f32 $2.771281240e+01, v5  }
0x136: {  	v5 =	vld [tilespmem:s21+$0x0];
	[tilespmem:s31+$0x20] =	vst v3;
	v3 =	vmul.f32 $2.771281240e+01, v7  }
0x137: {  	v7 =	vld [tilespmem:s21+$0x10];
	[tilespmem:s31+$0x30] =	vst v4;
	v4 =	vmul.f32 $2.771281240e+01, v9  }
0x138: {  	v9 =	vld [tilespmem:s21+$0x20];
	[tilespmem:s31+$0x40] =	vst v3;
	v3 =	vmul.f32 $2.771281240e+01, v8  }
0x139: {  	v8 =	vld [tilespmem:s21+$0x30];
	[tilespmem:s31+$0x50] =	vst v4;
	v4 =	vmul.f32 $2.771281240e+01, v10  }
0x13a: {  	v10 =	vld [tilespmem:s21+$0x40];
	v6 =	vmul.f32 $2.771281240e+01, v6;
	[tilespmem:s31+$0x60] =	vst v3  }
0x13b: {  	v3 =	vld [tilespmem:s21+$0x50];
	v5 =	vmul.f32 $2.771281240e+01, v5;
	[tilespmem:s31+$0x70] =	vst v4  }
0x13c: {  	s29 =	sor.u32 s25, s30;
	v4 =	vld [tilespmem:s21+$0x60];
	[tilespmem:s22+$0x70] =	vst v6;
	v6 =	vmul.f32 $2.771281240e+01, v7  }
0x13d: {  	v7 =	vld [tilespmem:s29+$0x0];
	[tilespmem:s21+$0x0] =	vst v5;
	v5 =	vmul.f32 $2.771281240e+01, v9  }
0x13e: {  	v9 =	vld [tilespmem:s29+$0x10];
	[tilespmem:s21+$0x10] =	vst v6;
	v6 =	vmul.f32 $2.771281240e+01, v8  }
0x13f: {  	v8 =	vld [tilespmem:s29+$0x20];
	[tilespmem:s21+$0x20] =	vst v5;
	v5 =	vmul.f32 $2.771281240e+01, v10  }
0x140: {  	v10 =	vld [tilespmem:s29+$0x30];
	[tilespmem:s21+$0x30] =	vst v6;
	v3 =	vmul.f32 $2.771281240e+01, v3  }
0x141: {  	v11 =	vld [tilespmem:s29+$0x40];
	[tilespmem:s21+$0x40] =	vst v5;
	v4 =	vmul.f32 $2.771281240e+01, v4  }
0x142: {  	v12 =	vld [tilespmem:s29+$0x50];
	v5 =	vmul.f32 $2.771281240e+01, v7;
	[tilespmem:s21+$0x50] =	vst v3  }
0x143: {  	v6 =	vld [tilespmem:s29+$0x60];
	v3 =	vmul.f32 $2.771281240e+01, v9;
	[tilespmem:s21+$0x60] =	vst v4  }
0x144: {  	v7 =	vld [tilespmem:s29+$0x70];
	v4 =	vmul.f32 $2.771281240e+01, v8;
	[tilespmem:s29+$0x0] =	vst v5  }
0x145: {  	[tilespmem:s29+$0x10] =	vst v3;
	v5 =	vmul.f32 $2.771281240e+01, v10;
	v3 =	vld [tilespmem:s21+$0x70]  }
0x146: {  	v9 =	vmul.f32 $2.771281240e+01, v11;
	[tilespmem:s29+$0x20] =	vst v4;
	v4 =	vld [tilespmem:s22+$0x0]  }
0x147: {  	s23 =	sor.u32 s25, s0;
	s25 =	sor.u32 s25, s11;
	s24 =	simm.s32 $0x2;
	v8 =	vmul.f32 $2.771281240e+01, v12;
	[tilespmem:s29+$0x30] =	vst v5;
	v5 =	vld [tilespmem:s22+$0x10]  }
.LBB2_5:
0x148: {  	s24 =	sadd.s32 $0x2, s24;
	[tilespmem:s29+$0x40] =	vst v9;
	v6 =	vmul.f32 $2.771281240e+01, v6;
	v9 =	vld [tilespmem:s22+$0x20]  }
0x149: {  	s0 =	sadd.s32 s19, s24;
	p0 =	slt.u32 s24, $0x1E;
	[tilespmem:s29+$0x50] =	vst v8;
	v7 =	vmul.f32 $2.771281240e+01, v7;
	v8 =	vld [tilespmem:s22+$0x30]  }
0x14a: {  	s0 =	sshrl.u32 s0, $0x3;
	[tilespmem:s29+$0x60] =	vst v6;
	v6 =	vld [tilespmem:s22+$0x40];
	v3 =	vmul.f32 $2.771281240e+01, v3  }
0x14b: {  	s0 =	smul.u32 $0x6000, s0;
	[tilespmem:s29+$0x70] =	vst v7;
	v4 =	vmul.f32 $2.771281240e+01, v4;
	v7 =	vld [tilespmem:s22+$0x50]  }
0x14c: {  	s20 =	sadd.s32 $0x100, s20;
	v10 =	vld [tilespmem:s23+$0x0];
	v5 =	vmul.f32 $2.771281240e+01, v5;
	[tilespmem:s21+$0x70] =	vst v3;
	s21 =	smov.u32 s25  }
0x14d: {  	s25 =	sand.u32 $0x300, s20;
	s28 =	sshra.s32 s0, $0x2;
	v3 =	vld [tilespmem:s23+$0x10];
	[tilespmem:s22+$0x0] =	vst v4;
	v4 =	vmul.f32 $2.771281240e+01, v9  }
0x14e: {  	s26 =	sor.u32 $0x80, s25;
	s0 =	sadd.s32 $0x1000, s28;
	v9 =	vld [tilespmem:s23+$0x20];
	[tilespmem:s22+$0x10] =	vst v5;
	v5 =	vmul.f32 $2.771281240e+01, v8  }
0x14f: {  	s30 =	sor.u32 s25, s0;
	s0 =	sor.u32 s26, s0;
	v8 =	vld [tilespmem:s23+$0x30];
	[tilespmem:s22+$0x20] =	vst v4;
	v4 =	vmul.f32 $2.771281240e+01, v6  }
0x150: {  	v6 =	vld [tilespmem:s0+$0x0];
	[tilespmem:s22+$0x30] =	vst v5;
	v5 =	vmul.f32 $2.771281240e+01, v7  }
0x151: {  	v7 =	vld [tilespmem:s0+$0x10];
	v10 =	vmul.f32 $2.771281240e+01, v10;
	[tilespmem:s22+$0x40] =	vst v4  }
0x152: {  	v4 =	vld [tilespmem:s0+$0x20];
	v3 =	vmul.f32 $2.771281240e+01, v3;
	[tilespmem:s22+$0x50] =	vst v5  }
0x153: {  	v5 =	vld [tilespmem:s0+$0x30];
	[tilespmem:s23+$0x0] =	vst v10;
	v9 =	vmul.f32 $2.771281240e+01, v9  }
0x154: {  	v10 =	vld [tilespmem:s0+$0x40];
	[tilespmem:s23+$0x10] =	vst v3;
	v3 =	vmul.f32 $2.771281240e+01, v8  }
0x155: {  	v6 =	vmul.f32 $2.771281240e+01, v6;
	v8 =	vld [tilespmem:s0+$0x50];
	[tilespmem:s23+$0x20] =	vst v9  }
0x156: {  	v7 =	vmul.f32 $2.771281240e+01, v7;
	v9 =	vld [tilespmem:s0+$0x60];
	[tilespmem:s23+$0x30] =	vst v3  }
0x157: {  	[tilespmem:s0+$0x0] =	vst v6;
	v3 =	vmul.f32 $2.771281240e+01, v4;
	v4 =	vld [tilespmem:s0+$0x70]  }
0x158: {  	[tilespmem:s0+$0x10] =	vst v7;
	v5 =	vmul.f32 $2.771281240e+01, v5;
	v6 =	vld [tilespmem:s0+$0x400]  }
0x159: {  	[tilespmem:s0+$0x20] =	vst v3;
	v3 =	vmul.f32 $2.771281240e+01, v10;
	v7 =	vld [tilespmem:s0+$0x410]  }
0x15a: {  	[tilespmem:s0+$0x30] =	vst v5;
	v5 =	vmul.f32 $2.771281240e+01, v8;
	v8 =	vld [tilespmem:s0+$0x420]  }
0x15b: {  	[tilespmem:s0+$0x40] =	vst v3;
	v3 =	vmul.f32 $2.771281240e+01, v9;
	v9 =	vld [tilespmem:s0+$0x430]  }
0x15c: {  	[tilespmem:s0+$0x50] =	vst v5;
	v4 =	vmul.f32 $2.771281240e+01, v4;
	v5 =	vld [tilespmem:s0+$0x440]  }
0x15d: {  	[tilespmem:s0+$0x60] =	vst v3;
	v3 =	vmul.f32 $2.771281240e+01, v6;
	v6 =	vld [tilespmem:s0+$0x450]  }
0x15e: {  	[tilespmem:s0+$0x70] =	vst v4;
	v4 =	vmul.f32 $2.771281240e+01, v7;
	v7 =	vld [tilespmem:s0+$0x460]  }
0x15f: {  	[tilespmem:s0+$0x400] =	vst v3;
	v3 =	vmul.f32 $2.771281240e+01, v8;
	v8 =	vld [tilespmem:s0+$0x470]  }
0x160: {  	v10 =	vld [tilespmem:s30+$0x0];
	[tilespmem:s0+$0x410] =	vst v4;
	v4 =	vmul.f32 $2.771281240e+01, v9  }
0x161: {  	v9 =	vld [tilespmem:s30+$0x10];
	[tilespmem:s0+$0x420] =	vst v3;
	v3 =	vmul.f32 $2.771281240e+01, v5  }
0x162: {  	v5 =	vld [tilespmem:s30+$0x20];
	[tilespmem:s0+$0x430] =	vst v4;
	v4 =	vmul.f32 $2.771281240e+01, v6  }
0x163: {  	v6 =	vld [tilespmem:s30+$0x30];
	[tilespmem:s0+$0x440] =	vst v3;
	v3 =	vmul.f32 $2.771281240e+01, v7  }
0x164: {  	v7 =	vld [tilespmem:s30+$0x40];
	[tilespmem:s0+$0x450] =	vst v4;
	v4 =	vmul.f32 $2.771281240e+01, v8  }
0x165: {  	s1 =	sadd.s32 $0x1800, s28;
	v8 =	vmul.f32 $2.771281240e+01, v10;
	v10 =	vld [tilespmem:s30+$0x50];
	[tilespmem:s0+$0x460] =	vst v3  }
0x166: {  	s31 =	sor.u32 s25, s1;
	v3 =	vmul.f32 $2.771281240e+01, v9;
	v9 =	vld [tilespmem:s30+$0x60];
	[tilespmem:s0+$0x470] =	vst v4;
	s0 =	sor.u32 s26, s1  }
0x167: {  	[tilespmem:s30+$0x0] =	vst v8;
	v4 =	vmul.f32 $2.771281240e+01, v5;
	v5 =	vld [tilespmem:s0+$0x0]  }
0x168: {  	[tilespmem:s30+$0x10] =	vst v3;
	v3 =	vmul.f32 $2.771281240e+01, v6;
	v6 =	vld [tilespmem:s0+$0x10]  }
0x169: {  	[tilespmem:s30+$0x20] =	vst v4;
	v4 =	vmul.f32 $2.771281240e+01, v7;
	v7 =	vld [tilespmem:s0+$0x20]  }
0x16a: {  	[tilespmem:s30+$0x30] =	vst v3;
	v3 =	vmul.f32 $2.771281240e+01, v10;
	v8 =	vld [tilespmem:s0+$0x30]  }
0x16b: {  	[tilespmem:s30+$0x40] =	vst v4;
	v4 =	vmul.f32 $2.771281240e+01, v9;
	v9 =	vld [tilespmem:s0+$0x40]  }
0x16c: {  	[tilespmem:s30+$0x50] =	vst v3;
	v3 =	vmul.f32 $2.771281240e+01, v5;
	v5 =	vld [tilespmem:s0+$0x50]  }
0x16d: {  	[tilespmem:s30+$0x60] =	vst v4;
	v4 =	vmul.f32 $2.771281240e+01, v6;
	v6 =	vld [tilespmem:s0+$0x60]  }
0x16e: {  	[tilespmem:s0+$0x0] =	vst v3;
	v3 =	vmul.f32 $2.771281240e+01, v7;
	v7 =	vld [tilespmem:s0+$0x70]  }
0x16f: {  	v10 =	vld [tilespmem:s30+$0x70];
	[tilespmem:s0+$0x10] =	vst v4;
	v4 =	vmul.f32 $2.771281240e+01, v8  }
0x170: {  	v8 =	vld [tilespmem:s30+$0x400];
	[tilespmem:s0+$0x20] =	vst v3;
	v3 =	vmul.f32 $2.771281240e+01, v9  }
0x171: {  	v9 =	vld [tilespmem:s30+$0x410];
	[tilespmem:s0+$0x30] =	vst v4;
	v4 =	vmul.f32 $2.771281240e+01, v5  }
0x172: {  	v5 =	vld [tilespmem:s30+$0x420];
	[tilespmem:s0+$0x40] =	vst v3;
	v3 =	vmul.f32 $2.771281240e+01, v6  }
0x173: {  	v6 =	vld [tilespmem:s30+$0x430];
	[tilespmem:s0+$0x50] =	vst v4;
	v4 =	vmul.f32 $2.771281240e+01, v7  }
0x174: {  	s1 =	sadd.s32 $0x1C00, s28;
	v7 =	vmul.f32 $2.771281240e+01, v10;
	v10 =	vld [tilespmem:s30+$0x440];
	[tilespmem:s0+$0x60] =	vst v3  }
0x175: {  	s29 =	sor.u32 s25, s1;
	v3 =	vmul.f32 $2.771281240e+01, v8;
	v8 =	vld [tilespmem:s30+$0x450];
	[tilespmem:s0+$0x70] =	vst v4;
	s0 =	sor.u32 s26, s1  }
0x176: {  	[tilespmem:s30+$0x70] =	vst v7;
	v4 =	vmul.f32 $2.771281240e+01, v9;
	v7 =	vld [tilespmem:s0+$0x0]  }
0x177: {  	[tilespmem:s30+$0x400] =	vst v3;
	v3 =	vmul.f32 $2.771281240e+01, v5;
	v5 =	vld [tilespmem:s0+$0x10]  }
0x178: {  	[tilespmem:s30+$0x410] =	vst v4;
	v4 =	vmul.f32 $2.771281240e+01, v6;
	v6 =	vld [tilespmem:s0+$0x20]  }
0x179: {  	[tilespmem:s30+$0x420] =	vst v3;
	v3 =	vmul.f32 $2.771281240e+01, v10;
	v9 =	vld [tilespmem:s0+$0x30]  }
0x17a: {  	[tilespmem:s30+$0x430] =	vst v4;
	v4 =	vmul.f32 $2.771281240e+01, v8;
	v8 =	vld [tilespmem:s0+$0x40]  }
0x17b: {  	[tilespmem:s30+$0x440] =	vst v3;
	v3 =	vmul.f32 $2.771281240e+01, v7;
	v7 =	vld [tilespmem:s0+$0x50]  }
0x17c: {  	[tilespmem:s30+$0x450] =	vst v4;
	v4 =	vmul.f32 $2.771281240e+01, v5;
	v5 =	vld [tilespmem:s0+$0x60]  }
0x17d: {  	[tilespmem:s0+$0x0] =	vst v3;
	v3 =	vmul.f32 $2.771281240e+01, v6;
	v6 =	vld [tilespmem:s0+$0x70]  }
0x17e: {  	v10 =	vld [tilespmem:s30+$0x460];
	[tilespmem:s0+$0x10] =	vst v4;
	v4 =	vmul.f32 $2.771281240e+01, v9  }
0x17f: {  	v9 =	vld [tilespmem:s30+$0x470];
	[tilespmem:s0+$0x20] =	vst v3;
	v3 =	vmul.f32 $2.771281240e+01, v8  }
0x180: {  	[tilespmem:s0+$0x30] =	vst v4;
	v4 =	vmul.f32 $2.771281240e+01, v7;
	v7 =	vld [tilespmem:s23+$0x40]  }
0x181: {  	[tilespmem:s0+$0x40] =	vst v3;
	v3 =	vmul.f32 $2.771281240e+01, v5;
	v5 =	vld [tilespmem:s23+$0x50]  }
0x182: {  	[tilespmem:s0+$0x50] =	vst v4;
	v4 =	vmul.f32 $2.771281240e+01, v6;
	v6 =	vld [tilespmem:s23+$0x60]  }
0x183: {  	s1 =	sadd.s32 $0x2000, s28;
	v8 =	vmul.f32 $2.771281240e+01, v10;
	[tilespmem:s0+$0x60] =	vst v3;
	v3 =	vld [tilespmem:s23+$0x70]  }
0x184: {  	s11 =	sor.u32 s25, s1;
	v9 =	vmul.f32 $2.771281240e+01, v9;
	[tilespmem:s0+$0x70] =	vst v4;
	s0 =	sor.u32 s26, s1;
	v4 =	vld [tilespmem:s22+$0x60]  }
0x185: {  	[tilespmem:s30+$0x460] =	vst v8;
	v8 =	vld [tilespmem:s0+$0x0];
	v7 =	vmul.f32 $2.771281240e+01, v7  }
0x186: {  	[tilespmem:s30+$0x470] =	vst v9;
	v9 =	vld [tilespmem:s0+$0x10];
	v5 =	vmul.f32 $2.771281240e+01, v5  }
0x187: {  	v10 =	vld [tilespmem:s0+$0x20];
	[tilespmem:s23+$0x40] =	vst v7;
	v6 =	vmul.f32 $2.771281240e+01, v6  }
0x188: {  	v7 =	vld [tilespmem:s0+$0x30];
	[tilespmem:s23+$0x50] =	vst v5;
	v3 =	vmul.f32 $2.771281240e+01, v3  }
0x189: {  	v5 =	vld [tilespmem:s0+$0x40];
	[tilespmem:s23+$0x60] =	vst v6;
	v4 =	vmul.f32 $2.771281240e+01, v4  }
0x18a: {  	v6 =	vmul.f32 $2.771281240e+01, v8;
	v8 =	vld [tilespmem:s0+$0x50];
	[tilespmem:s23+$0x70] =	vst v3;
	s23 =	smov.u32 s11  }
0x18b: {  	v3 =	vmul.f32 $2.771281240e+01, v9;
	v9 =	vld [tilespmem:s0+$0x60];
	[tilespmem:s22+$0x60] =	vst v4  }
0x18c: {  	[tilespmem:s0+$0x0] =	vst v6;
	v4 =	vmul.f32 $2.771281240e+01, v10;
	v6 =	vld [tilespmem:s0+$0x70]  }
0x18d: {  	v10 =	vld [tilespmem:s31+$0x0];
	[tilespmem:s0+$0x10] =	vst v3;
	v3 =	vmul.f32 $2.771281240e+01, v7  }
0x18e: {  	v7 =	vld [tilespmem:s31+$0x10];
	[tilespmem:s0+$0x20] =	vst v4;
	v4 =	vmul.f32 $2.771281240e+01, v5  }
0x18f: {  	v5 =	vld [tilespmem:s31+$0x20];
	[tilespmem:s0+$0x30] =	vst v3;
	v3 =	vmul.f32 $2.771281240e+01, v8  }
0x190: {  	v8 =	vld [tilespmem:s31+$0x30];
	[tilespmem:s0+$0x40] =	vst v4;
	v4 =	vmul.f32 $2.771281240e+01, v9  }
0x191: {  	v9 =	vld [tilespmem:s31+$0x40];
	[tilespmem:s0+$0x50] =	vst v3;
	v3 =	vmul.f32 $2.771281240e+01, v6  }
0x192: {  	s1 =	sadd.s32 $0x2400, s28;
	v6 =	vmul.f32 $2.771281240e+01, v10;
	v10 =	vld [tilespmem:s31+$0x50];
	[tilespmem:s0+$0x60] =	vst v4  }
0x193: {  	s25 =	sor.u32 s25, s1;
	s22 =	sor.u32 s26, s1;
	v4 =	vmul.f32 $2.771281240e+01, v7;
	v7 =	vld [tilespmem:s31+$0x60];
	[tilespmem:s0+$0x70] =	vst v3  }
0x194: {  	[tilespmem:s31+$0x0] =	vst v6;
	v3 =	vmul.f32 $2.771281240e+01, v5;
	v5 =	vld [tilespmem:s22+$0x70]  }
0x195: {  	[tilespmem:s31+$0x10] =	vst v4;
	v4 =	vmul.f32 $2.771281240e+01, v8;
	v6 =	vld [tilespmem:s31+$0x70]  }
0x196: {  	[tilespmem:s31+$0x20] =	vst v3;
	v3 =	vmul.f32 $2.771281240e+01, v9;
	v8 =	vld [tilespmem:s21+$0x0]  }
0x197: {  	[tilespmem:s31+$0x30] =	vst v4;
	v4 =	vmul.f32 $2.771281240e+01, v10;
	v9 =	vld [tilespmem:s21+$0x10]  }
0x198: {  	[tilespmem:s31+$0x40] =	vst v3;
	v3 =	vmul.f32 $2.771281240e+01, v7;
	v7 =	vld [tilespmem:s21+$0x20]  }
0x199: {  	[tilespmem:s31+$0x50] =	vst v4;
	v4 =	vmul.f32 $2.771281240e+01, v5;
	v5 =	vld [tilespmem:s21+$0x30]  }
0x19a: {  	[tilespmem:s31+$0x60] =	vst v3;
	v3 =	vmul.f32 $2.771281240e+01, v6;
	v6 =	vld [tilespmem:s21+$0x40]  }
0x19b: {  	[tilespmem:s22+$0x70] =	vst v4;
	v4 =	vmul.f32 $2.771281240e+01, v8;
	v8 =	vld [tilespmem:s21+$0x50]  }
0x19c: {  	[tilespmem:s31+$0x70] =	vst v3;
	v3 =	vmul.f32 $2.771281240e+01, v9;
	v9 =	vld [tilespmem:s21+$0x60]  }
0x19d: {  	v10 =	vld [tilespmem:s29+$0x0];
	[tilespmem:s21+$0x0] =	vst v4;
	v4 =	vmul.f32 $2.771281240e+01, v7  }
0x19e: {  	v7 =	vld [tilespmem:s29+$0x10];
	[tilespmem:s21+$0x10] =	vst v3;
	v3 =	vmul.f32 $2.771281240e+01, v5  }
0x19f: {  	v5 =	vld [tilespmem:s29+$0x20];
	[tilespmem:s21+$0x20] =	vst v4;
	v4 =	vmul.f32 $2.771281240e+01, v6  }
0x1a0: {  	v11 =	vld [tilespmem:s29+$0x30];
	[tilespmem:s21+$0x30] =	vst v3;
	v3 =	vmul.f32 $2.771281240e+01, v8  }
0x1a1: {  	v8 =	vld [tilespmem:s29+$0x40];
	[tilespmem:s21+$0x40] =	vst v4;
	v4 =	vmul.f32 $2.771281240e+01, v9  }
0x1a2: {  	v9 =	vmul.f32 $2.771281240e+01, v10;
	v10 =	vld [tilespmem:s29+$0x50];
	[tilespmem:s21+$0x50] =	vst v3  }
.Ltmp1:
0x1a3: {  	v3 =	vmul.f32 $2.771281240e+01, v7;
	v6 =	vld [tilespmem:s29+$0x60];
	[tilespmem:s21+$0x60] =	vst v4;
	(pc) =	sbr.rel @p0 .LBB2_5-.Ltmp1, $4  }
0x1a4: {  	[tilespmem:s29+$0x0] =	vst v9;
	v4 =	vmul.f32 $2.771281240e+01, v5;
	v7 =	vld [tilespmem:s29+$0x70]  }
0x1a5: {  	[tilespmem:s29+$0x10] =	vst v3;
	v5 =	vmul.f32 $2.771281240e+01, v11;
	v3 =	vld [tilespmem:s21+$0x70]  }
0x1a6: {  	[tilespmem:s29+$0x20] =	vst v4;
	v9 =	vmul.f32 $2.771281240e+01, v8;
	v4 =	vld [tilespmem:s22+$0x0]  }
0x1a7: {  	[tilespmem:s29+$0x30] =	vst v5;
	v8 =	vmul.f32 $2.771281240e+01, v10;
	v5 =	vld [tilespmem:s22+$0x10]  }
0x1a8: {  	[tilespmem:s29+$0x40] =	vst v9;
	v6 =	vmul.f32 $2.771281240e+01, v6  }
0x1a9: {  	[tilespmem:s29+$0x50] =	vst v8;
	v7 =	vmul.f32 $2.771281240e+01, v7  }
0x1aa: {  	[tilespmem:s29+$0x60] =	vst v6  }
0x1ab: {  	[tilespmem:s29+$0x70] =	vst v7  }
0x1ac: {  	v6 =	vld [tilespmem:s23+$0x0]  }
0x1ad: {  	v7 =	vld [tilespmem:s23+$0x10]  }
0x1ae: {  	v8 =	vld [tilespmem:s23+$0x20]  }
0x1af: {  	v9 =	vld [tilespmem:s23+$0x30]  }
0x1b0: {  	v3 =	vmul.f32 $2.771281240e+01, v3;
	v38 =	vld [tilespmem:s23+$0x60]  }
0x1b1: {  	v39 =	vld [tilespmem:s23+$0x70];
	v6 =	vmul.f32 $2.771281240e+01, v6  }
0x1b2: {  	v36 =	vld [tilespmem:s23+$0x40];
	[tilespmem:s21+$0x70] =	vst v3;
	v7 =	vmul.f32 $2.771281240e+01, v7  }
0x1b3: {  	v37 =	vld [tilespmem:s23+$0x50];
	v34 =	vmul.f32 $2.771281240e+01, v8;
	[tilespmem:s23+$0x0] =	vst v6  }
0x1b4: {  	v35 =	vmul.f32 $2.771281240e+01, v9;
	[tilespmem:s23+$0x10] =	vst v7  }
0x1b5: {  	v40 =	vmul.f32 $2.771281240e+01, v38;
	[tilespmem:s23+$0x20] =	vst v34  }
0x1b6: {  	v10 =	vld [tilespmem:s22+$0x20];
	v42 =	vmul.f32 $2.771281240e+01, v39;
	[tilespmem:s23+$0x30] =	vst v35  }
0x1b7: {  	v41 =	vld [tilespmem:s22+$0x30];
	v6 =	vmul.f32 $2.771281240e+01, v36;
	[tilespmem:s23+$0x60] =	vst v40  }
0x1b8: {  	v43 =	vld [tilespmem:s22+$0x40];
	v7 =	vmul.f32 $2.771281240e+01, v37;
	[tilespmem:s23+$0x70] =	vst v42  }
0x1b9: {  	v44 =	vld [tilespmem:s22+$0x50];
	v4 =	vmul.f32 $2.771281240e+01, v4;
	[tilespmem:s23+$0x40] =	vst v6  }
0x1ba: {  	v62 =	vld [tilespmem:s22+$0x60];
	v5 =	vmul.f32 $2.771281240e+01, v5;
	[tilespmem:s23+$0x50] =	vst v7  }
0x1bb: {  	[tilespmem:s22+$0x0] =	vst v4;
	v45 =	vmul.f32 $2.771281240e+01, v10;
	v7 =	vld [tilespmem:s25+$0x0]  }
0x1bc: {  	v47 =	vmul.f32 $2.771281240e+01, v41;
	[tilespmem:s22+$0x10] =	vst v5;
	v46 =	vld [tilespmem:s25+$0x10]  }
0x1bd: {  	v49 =	vmul.f32 $2.771281240e+01, v43;
	[tilespmem:s22+$0x20] =	vst v45;
	v48 =	vld [tilespmem:s25+$0x20]  }
0x1be: {  	v51 =	vmul.f32 $2.771281240e+01, v44;
	[tilespmem:s22+$0x30] =	vst v47;
	v50 =	vld [tilespmem:s25+$0x30]  }
0x1bf: {  	v5 =	vmul.f32 $2.771281240e+01, v62;
	[tilespmem:s22+$0x40] =	vst v49;
	v52 =	vld [tilespmem:s25+$0x40]  }
0x1c0: {  	[tilespmem:s22+$0x50] =	vst v51;
	v54 =	vld [tilespmem:s25+$0x50];
	v53 =	vmul.f32 $2.771281240e+01, v7  }
0x1c1: {  	[tilespmem:s22+$0x60] =	vst v5;
	v56 =	vld [tilespmem:s25+$0x60];
	v55 =	vmul.f32 $2.771281240e+01, v46  }
0x1c2: {  	v63 =	vld [tilespmem:s25+$0x70];
	v57 =	vmul.f32 $2.771281240e+01, v48;
	[tilespmem:s25+$0x0] =	vst v53  }
0x1c3: {  	v58 =	vmul.f32 $2.771281240e+01, v50;
	[tilespmem:s25+$0x10] =	vst v55  }
0x1c4: {  	s0 =	sshll.u32 s17, $0x2;
	s17 =	sadd.s32 $0x1, s17;
	v59 =	vmul.f32 $2.771281240e+01, v52;
	[tilespmem:s25+$0x20] =	vst v57  }
0x1c5: {  	s1 =	smul.u32 $0x18000, s18;
	p0 =	sne.s32 s17, $0x20;
	v60 =	vmul.f32 $2.771281240e+01, v54;
	[tilespmem:s25+$0x30] =	vst v58  }
.Ltmp2:
0x1c6: {  	s0 =	sadd.s32 s5, s0;
	v61 =	vmul.f32 $2.771281240e+01, v56;
	[tilespmem:s25+$0x40] =	vst v59;
	(pc) =	sbr.rel @p0 .LBB2_2-.Ltmp2, $4  }
0x1c7: {  	s0 =	smul.u32 $0x300, s0;
	v3 =	vmul.f32 $2.771281240e+01, v63;
	[tilespmem:s25+$0x50] =	vst v60  }
0x1c8: {  	s11 =	sadd.s32 $0x5, s18;
	s1 =	sshrl.u32 s1, $0x2;
	[tilespmem:s25+$0x60] =	vst v61  }
0x1c9: {  	s16 =	sadd.s32 $0x1, s16;
	s1 =	sor.u32 $0x1000, s1;
	s0 =	sadd.s32 s3, s0;
	[tilespmem:s25+$0x70] =	vst v3  }
0x1ca: {  	[hbm4b:s0+s4] =	stream.linear.scatter [tilespmem:s1], [sflag:s11], $0x6000, $0x38;
	[tilespmem:$0x19000] =	vst v63  }
0x1cb: {  	s15 =	sadd.s32 $0x1, s15  }
0x1cc: {  	_ =	swait.ge [sflag:s13], $0x6000;
	p0 =	sne.s32 s15, s9  }
.Ltmp3:
0x1cd: {  	[sflag:s13] =	ssyncset.done $0x0;
	(pc) =	sbr.rel @p0 .LBB2_1-.Ltmp3, $4  }
0x1ce: {  	[sflag:s13] =	ssyncadd.s32 $0xFFFFA000  }
0x1cf: {  	_ =	swait.ge [sflag:s14], $0x6000  }
0x1d0: {  	[sflag:s14] =	ssyncset.done $0x0  }
0x1d1: {  	[sflag:s14] =	ssyncadd.s32 $0xFFFFA000  }
0x1d2: {  	_ =	sfence.sel $0x180000  }
0x1d3: {  	[bflag:$0x0] =	sbarrier.arrive $0xFFFF  }
0x1d4: {  	_ =	strace $0x90000047  }
0x1d5: {  	s0 =	stileid.u32;
	[bflag:$0x2] =	sbarrier.arrive $0xFFFF  }
0x1d6: {  	p0 =	sne.s32 s0, $0x0;
	s0 =	rddreg [dreg:$0x3]  }
0x1d7: {  	s0 =	sadd.s32 @!p0 $0x100000, s0  }
0x1d8: {  	[sflag:s0] =	ssyncadd.tile.s32 @!p0 $0x1;
	_ =	shalt  }
.Lfunc_end2:
_tile_overlayer_lowered:
.L_overlay_start_2:
0x1d9: {  	(tag) =	ssettag $0x2  }
0x1da: {  	s0 =	rddreg [dreg:$0x0];
	s2 =	stileid.u32  }
0x1db: {  	s1 =	rddreg [dreg:$0x1];
	p0 =	sne.s32 s2, $0x0  }
0x1dc: {  	s3 =	rddreg [dreg:$0x2];
	[bflag:$0x3] =	sbarrier.arrive $0xFFFF;
	s2 =	simm.s32 @!p0 $0x1C09  }
0x1dd: {  	[timem:s3], [sflag:s2] =	dma.local @!p0 [hbm:s0], s1  }
0x1de: {  	s0 =	simm.s32 @!p0 $0x9  }
0x1df: {  	_ =	swait.ge @!p0 [sflag:s0], s1  }
0x1e0: {  	s1 =	ssub.s32 @!p0 $0x0, s1;
	[sflag:s0] =	ssyncset.done @!p0 $0x0  }
0x1e1: {  	[sflag:s0] =	ssyncadd.s32 @!p0 s1  }
0x1e2: {  	[bflag:$0x3] =	sbarrier.arrive $0xFFFF  }
0x1e3: {  	_ =	shalt  }

</sc_bundles>
